<compile_context>
chip_gen: v7x
topology: tpu7x:2x2x1
jax: 0.10.2.dev20260603
libtpu: 0.0.44.dev20260713+nightly
codegen_flags: <defaults>
</compile_context>

<pallas_src>
import functools

import jax
import jax.numpy as jnp
from jax import lax
from jax.experimental import pallas as pl
from jax.experimental.pallas import tpu as pltpu
from jax.experimental.pallas import tpu_sc as plsc

BATCH = 16384
EMBED_DIM = 32
SUPER = 128
CHUNK = 128


BLK = 65536
QTR = BLK // 4


def _relayout_body(rows, tT_ref, out_ref):
    x = tT_ref[...]
    valid = rows - pl.program_id(0) * BLK
    col = lax.broadcasted_iota(jnp.int32, x.shape, 1)
    x = jnp.where(col < valid, x, 0.0)
    xs = jnp.concatenate([x[:, q * QTR:(q + 1) * QTR] for q in range(4)],
                         axis=0)
    eye = jnp.float32(
        lax.broadcasted_iota(jnp.int32, (SUPER, SUPER), 0)
        == lax.broadcasted_iota(jnp.int32, (SUPER, SUPER), 1))
    hi = xs.astype(jnp.bfloat16)
    lo = (xs - hi.astype(jnp.float32)).astype(jnp.bfloat16)
    dims = (((0,), (0,)), ((), ()))
    out_ref[...] = (
        lax.dot_general(hi, eye.astype(jnp.bfloat16), dims,
                        preferred_element_type=jnp.float32)
        + lax.dot_general(lo, eye.astype(jnp.bfloat16), dims,
                          preferred_element_type=jnp.float32))


def _tc_relayout(tabT):
    rows = tabT.shape[1]
    n_blocks = pl.cdiv(rows, BLK)
    return pl.pallas_call(
        functools.partial(_relayout_body, rows),
        grid=(n_blocks,),
        in_specs=[pl.BlockSpec((EMBED_DIM, BLK), lambda i: (0, i))],
        out_specs=pl.BlockSpec((QTR, SUPER), lambda i: (i, 0)),
        out_shape=jax.ShapeDtypeStruct((n_blocks * QTR, SUPER), jnp.float32),
    )(tabT)


def _sc_gather(item_id3, org_id3, item_tab4, org_tab4, n_workers, n_chunks):
    b_per_w = n_chunks * CHUNK
    mesh = plsc.VectorSubcoreMesh(core_axis_name="c", subcore_axis_name="s")

    @functools.partial(
        pl.kernel,
        out_type=(
            jax.ShapeDtypeStruct((BATCH, SUPER), jnp.float32),
            jax.ShapeDtypeStruct((BATCH, SUPER), jnp.float32),
        ),
        mesh=mesh,
        scratch_types=[
            pltpu.VMEM((n_chunks, CHUNK), jnp.int32),
            pltpu.VMEM((n_chunks, CHUNK), jnp.int32),
            pltpu.VMEM((2, CHUNK, SUPER), jnp.float32),
            pltpu.VMEM((2, CHUNK, SUPER), jnp.float32),
            pltpu.SemaphoreType.DMA,
            pltpu.SemaphoreType.DMA,
        ],
    )
    def k(iid_hbm, oid_hbm, itab_hbm, otab_hbm, iout_hbm, oout_hbm,
          iidx_v, oidx_v, ibuf_v, obuf_v, gsem, osem):
        wid = lax.axis_index("s") * 2 + lax.axis_index("c")
        base = wid * b_per_w
        pltpu.sync_copy(iid_hbm.at[wid], iidx_v)
        pltpu.sync_copy(oid_hbm.at[wid], oidx_v)
        outs = []
        for j in range(n_chunks):
            s = j % 2
            if j >= 2:
                outs[2 * (j - 2)].wait()
                outs[2 * (j - 2) + 1].wait()
            g1 = pltpu.async_copy(
                itab_hbm.at[iidx_v.at[j]], ibuf_v.at[s], gsem)
            g2 = pltpu.async_copy(
                otab_hbm.at[oidx_v.at[j]], obuf_v.at[s], gsem)
            g1.wait()
            g2.wait()
            dst = pl.ds(base + j * CHUNK, CHUNK)
            outs.append(pltpu.async_copy(
                ibuf_v.at[s], iout_hbm.at[dst], osem))
            outs.append(pltpu.async_copy(
                obuf_v.at[s], oout_hbm.at[dst], osem))
        for c in outs[-4:]:
            c.wait()

    return k(item_id3, org_id3, item_tab4, org_tab4)


def _mlp_body(ig_ref, og_ref, isel_ref, osel_ref,
              w1i_ref, w1o_ref, b1_ref, w2_ref, b2_ref, w3_ref, b3_ref,
              out_ref):
    ig = ig_ref[...]
    grp = lax.broadcasted_iota(jnp.int32, ig.shape, 1) >> 5
    ig = jnp.where(grp == jnp.int32(isel_ref[...]), ig, 0.0)
    og = jnp.where(grp == jnp.int32(osel_ref[...]), og_ref[...], 0.0)
    x = jnp.maximum(
        jnp.dot(ig, w1i_ref[...], preferred_element_type=jnp.float32)
        + jnp.dot(og, w1o_ref[...], preferred_element_type=jnp.float32)
        + b1_ref[...], 0.0)
    x = jnp.maximum(
        jnp.dot(x, w2_ref[...], preferred_element_type=jnp.float32)
        + b2_ref[...], 0.0)
    y = jnp.dot(x, w3_ref[...], preferred_element_type=jnp.float32) + b3_ref[...]
    out_ref[...] = jax.nn.sigmoid(y)


def _tc_mlp(ig, og, isel, osel, W1, b1, W2, b2, W3, b3, block_b=2048):
    n_blocks = BATCH // block_b
    full = lambda shape: pl.BlockSpec(shape, lambda i: (0, 0))
    return pl.pallas_call(
        _mlp_body,
        grid=(n_blocks,),
        in_specs=[
            pl.BlockSpec((block_b, SUPER), lambda i: (i, 0)),
            pl.BlockSpec((block_b, SUPER), lambda i: (i, 0)),
            pl.BlockSpec((block_b, 1), lambda i: (i, 0)),
            pl.BlockSpec((block_b, 1), lambda i: (i, 0)),
            full((SUPER, 128)),
            full((SUPER, 128)),
            full((1, 128)),
            full((128, 64)),
            full((1, 64)),
            full((64, 1)),
            full((1, 1)),
        ],
        out_specs=pl.BlockSpec((block_b, 1), lambda i: (i, 0)),
        out_shape=jax.ShapeDtypeStruct((BATCH, 1), jnp.float32),
    )(ig, og, isel, osel, jnp.tile(W1[:EMBED_DIM], (4, 1)),
      jnp.tile(W1[EMBED_DIM:], (4, 1)), b1.reshape(1, -1), W2,
      b2.reshape(1, -1), W3, b3.reshape(1, -1))


def kernel(item_id, org_id, item_table, org_table, W1, b1, W2, b2, W3, b3):
    info = plsc.get_sparse_core_info()
    n_workers = info.num_cores * info.num_subcores
    n_chunks = BATCH // (n_workers * CHUNK)
    item_id = item_id.astype(jnp.int32)
    org_id = org_id.astype(jnp.int32)
    isup = ((item_id // BLK) * QTR) + (item_id % QTR)
    osup = ((org_id // BLK) * QTR) + (org_id % QTR)
    item_id3 = isup.reshape(n_workers, n_chunks, CHUNK)
    org_id3 = osup.reshape(n_workers, n_chunks, CHUNK)
    item_tab4 = _tc_relayout(item_table.T)
    org_tab4 = _tc_relayout(org_table.T)
    ig, og = _sc_gather(item_id3, org_id3, item_tab4, org_tab4,
                        n_workers, n_chunks)
    isel = ((item_id % BLK) // QTR).astype(jnp.int8).reshape(BATCH, 1)
    osel = ((org_id % BLK) // QTR).astype(jnp.int8).reshape(BATCH, 1)
    return _tc_mlp(ig, og, isel, osel, W1, b1, W2, b2, W3, b3)

# --- scband reference (transcript-rebuilt; emitter-appended) ---
"""Pipeline reference for scband-recommendation-model-22041772163421 (READ-ONLY COPY).

The authoritative reference and input builder live on the scoring server;
editing this copy changes nothing except your own understanding.
"""

import jax, jax.numpy as jnp
import numpy as np

NUM_ITEMS = 1000000
NUM_ORGS = 100000
EMBED_DIM = 32
BATCH = 16384


def setup_inputs(seed: int = 0) -> dict:
    key = jax.random.key(seed)
    ks = jax.random.split(key, 10)
    item_id = jax.random.randint(ks[0], (BATCH,), 0, NUM_ITEMS)
    org_id = jax.random.randint(ks[1], (BATCH,), 0, NUM_ORGS)
    item_table = jax.random.normal(ks[2], (NUM_ITEMS, EMBED_DIM), dtype=jnp.float32) * 0.05
    org_table = jax.random.normal(ks[3], (NUM_ORGS, EMBED_DIM), dtype=jnp.float32) * 0.05
    W1 = jax.random.normal(ks[4], (2 * EMBED_DIM, 128), dtype=jnp.float32) * (1.0 / np.sqrt(2 * EMBED_DIM))
    b1 = jnp.zeros((128,), dtype=jnp.float32)
    W2 = jax.random.normal(ks[5], (128, 64), dtype=jnp.float32) * (1.0 / np.sqrt(128))
    b2 = jnp.zeros((64,), dtype=jnp.float32)
    W3 = jax.random.normal(ks[6], (64, 1), dtype=jnp.float32) * (1.0 / np.sqrt(64))
    b3 = jnp.zeros((1,), dtype=jnp.float32)
    return {
        'item_id': item_id, 'org_id': org_id,
        'item_table': item_table, 'org_table': org_table,
        'W1': W1, 'b1': b1, 'W2': W2, 'b2': b2, 'W3': W3, 'b3': b3,
    }


def reference(item_id, org_id, item_table, org_table, W1, b1, W2, b2, W3, b3):
    item_vector = jnp.take(item_table, item_id, axis=0)
    org_vector = jnp.take(org_table, org_id, axis=0)
    combined = jnp.concatenate([item_vector, org_vector], axis=-1)
    x = jax.nn.relu(combined @ W1 + b1)
    x = jax.nn.relu(x @ W2 + b2)
    out = jax.nn.sigmoid(x @ W3 + b3)
    return out

if __name__ == "__main__":
    import jax
    _d = setup_inputs()
    print(jax.jit(kernel)(*tuple(_d.values())))

</pallas_src>

<mosaic_0001>
#map = affine_map<(d0, d1) -> (0, 0, 0)>
#map1 = affine_map<(d0, d1) -> (0, 0)>
module attributes {stable_mosaic.version = 14 : i64} {
  func.func @k(%arg0: i32, %arg1: i32, %arg2: memref<32x4x128xi32, #tpu.memory_space<hbm>>, %arg3: memref<32x4x128xi32, #tpu.memory_space<hbm>>, %arg4: memref<262144x128xf32, #tpu.memory_space<hbm>>, %arg5: memref<32768x128xf32, #tpu.memory_space<hbm>>, %arg6: memref<16384x128xf32, #tpu.memory_space<hbm>>, %arg7: memref<16384x128xf32, #tpu.memory_space<hbm>>, %arg8: memref<4x128xi32, #tpu.memory_space<vmem>>, %arg9: memref<4x128xi32, #tpu.memory_space<vmem>>, %arg10: memref<2x128x128xf32, #tpu.memory_space<vmem>>, %arg11: memref<2x128x128xf32, #tpu.memory_space<vmem>>, %arg12: memref<!tpu.dma_semaphore, #tpu.memory_space<semaphore_mem>>, %arg13: memref<!tpu.dma_semaphore, #tpu.memory_space<semaphore_mem>>) attributes {dimension_semantics = [#tpu.dimension_semantics<core_parallel>, #tpu.dimension_semantics<subcore_parallel>], iteration_bounds = array<i64: 2, 16>, scalar_prefetch = 0 : i64, scratch_operands = 6 : i64, tpu.core_type = #tpu.core_type<sc_vector_subcore>, window_params = [{transform_indices = #map}, {transform_indices = #map}, {transform_indices = #map1}, {transform_indices = #map1}, {transform_indices = #map1}, {transform_indices = #map1}]} {
    %mul3A = arith.constant 2 : i32
    %mul3A_0 = arith.muli %arg1, %mul3A : i32
    %add3A = arith.addi %mul3A_0, %arg0 : i32
    %mul3A_1 = arith.constant 512 : i32
    %mul3A_2 = arith.muli %add3A, %mul3A_1 : i32
    "tpu.region"() ({
      %run_scoped3A = tpu.sem_alloc : memref<!tpu.dma_semaphore, #tpu.memory_space<semaphore_mem>>
      %dma_start3A_409 = arith.constant 0 : i32
      %dma_start3A_410 = arith.constant 0 : i32
      %dma_start3A_411 = tpu.memref_slice %arg2[%add3A, %dma_start3A_409, %dma_start3A_410] : memref<32x4x128xi32, #tpu.memory_space<hbm>> -> memref<1x4x128xi32, #tpu.memory_space<hbm>>
      %dma_start3A_412 = tpu.memref_squeeze %dma_start3A_411 : memref<1x4x128xi32, #tpu.memory_space<hbm>> -> memref<4x128xi32, #tpu.memory_space<hbm>>
      %dma_start3A_413 = arith.constant 0 : i32
      %dma_start3A_414 = arith.constant 0 : i32
      %dma_start3A_415 = tpu.memref_slice %arg2[%add3A, %dma_start3A_413, %dma_start3A_414] : memref<32x4x128xi32, #tpu.memory_space<hbm>> -> memref<1x4x128xi32, #tpu.memory_space<hbm>>
      %dma_start3A_416 = tpu.memref_squeeze %dma_start3A_415 : memref<1x4x128xi32, #tpu.memory_space<hbm>> -> memref<4x128xi32, #tpu.memory_space<hbm>>
      tpu.enqueue_dma source(%dma_start3A_416 : memref<4x128xi32, #tpu.memory_space<hbm>>) target(%arg8 : memref<4x128xi32, #tpu.memory_space<vmem>>) target_semaphore(%run_scoped3A : memref<!tpu.dma_semaphore, #tpu.memory_space<semaphore_mem>>)
      %dma_wait3A_417 = arith.constant 0 : i32
      %dma_wait3A_418 = arith.constant 0 : i32
      %dma_wait3A_419 = tpu.memref_slice %arg2[%add3A, %dma_wait3A_417, %dma_wait3A_418] : memref<32x4x128xi32, #tpu.memory_space<hbm>> -> memref<1x4x128xi32, #tpu.memory_space<hbm>>
      %dma_wait3A_420 = tpu.memref_squeeze %dma_wait3A_419 : memref<1x4x128xi32, #tpu.memory_space<hbm>> -> memref<4x128xi32, #tpu.memory_space<hbm>>
      %dma_wait3A_421 = arith.constant 0 : i32
      %dma_wait3A_422 = arith.constant 0 : i32
      %dma_wait3A_423 = tpu.memref_slice %arg2[%add3A, %dma_wait3A_421, %dma_wait3A_422] : memref<32x4x128xi32, #tpu.memory_space<hbm>> -> memref<1x4x128xi32, #tpu.memory_space<hbm>>
      %dma_wait3A_424 = tpu.memref_squeeze %dma_wait3A_423 : memref<1x4x128xi32, #tpu.memory_space<hbm>> -> memref<4x128xi32, #tpu.memory_space<hbm>>
      tpu.wait_dma2 semaphore(%run_scoped3A : memref<!tpu.dma_semaphore, #tpu.memory_space<semaphore_mem>>) src(%dma_wait3A_424 : memref<4x128xi32, #tpu.memory_space<hbm>>) dst(%arg8 : memref<4x128xi32, #tpu.memory_space<vmem>>)
      tpu.yield
    }) : () -> ()
    "tpu.region"() ({
      %run_scoped3A = tpu.sem_alloc : memref<!tpu.dma_semaphore, #tpu.memory_space<semaphore_mem>>
      %dma_start3A_409 = arith.constant 0 : i32
      %dma_start3A_410 = arith.constant 0 : i32
      %dma_start3A_411 = tpu.memref_slice %arg3[%add3A, %dma_start3A_409, %dma_start3A_410] : memref<32x4x128xi32, #tpu.memory_space<hbm>> -> memref<1x4x128xi32, #tpu.memory_space<hbm>>
      %dma_start3A_412 = tpu.memref_squeeze %dma_start3A_411 : memref<1x4x128xi32, #tpu.memory_space<hbm>> -> memref<4x128xi32, #tpu.memory_space<hbm>>
      %dma_start3A_413 = arith.constant 0 : i32
      %dma_start3A_414 = arith.constant 0 : i32
      %dma_start3A_415 = tpu.memref_slice %arg3[%add3A, %dma_start3A_413, %dma_start3A_414] : memref<32x4x128xi32, #tpu.memory_space<hbm>> -> memref<1x4x128xi32, #tpu.memory_space<hbm>>
      %dma_start3A_416 = tpu.memref_squeeze %dma_start3A_415 : memref<1x4x128xi32, #tpu.memory_space<hbm>> -> memref<4x128xi32, #tpu.memory_space<hbm>>
      tpu.enqueue_dma source(%dma_start3A_416 : memref<4x128xi32, #tpu.memory_space<hbm>>) target(%arg9 : memref<4x128xi32, #tpu.memory_space<vmem>>) target_semaphore(%run_scoped3A : memref<!tpu.dma_semaphore, #tpu.memory_space<semaphore_mem>>)
      %dma_wait3A_417 = arith.constant 0 : i32
      %dma_wait3A_418 = arith.constant 0 : i32
      %dma_wait3A_419 = tpu.memref_slice %arg3[%add3A, %dma_wait3A_417, %dma_wait3A_418] : memref<32x4x128xi32, #tpu.memory_space<hbm>> -> memref<1x4x128xi32, #tpu.memory_space<hbm>>
      %dma_wait3A_420 = tpu.memref_squeeze %dma_wait3A_419 : memref<1x4x128xi32, #tpu.memory_space<hbm>> -> memref<4x128xi32, #tpu.memory_space<hbm>>
      %dma_wait3A_421 = arith.constant 0 : i32
      %dma_wait3A_422 = arith.constant 0 : i32
      %dma_wait3A_423 = tpu.memref_slice %arg3[%add3A, %dma_wait3A_421, %dma_wait3A_422] : memref<32x4x128xi32, #tpu.memory_space<hbm>> -> memref<1x4x128xi32, #tpu.memory_space<hbm>>
      %dma_wait3A_424 = tpu.memref_squeeze %dma_wait3A_423 : memref<1x4x128xi32, #tpu.memory_space<hbm>> -> memref<4x128xi32, #tpu.memory_space<hbm>>
      tpu.wait_dma2 semaphore(%run_scoped3A : memref<!tpu.dma_semaphore, #tpu.memory_space<semaphore_mem>>) src(%dma_wait3A_424 : memref<4x128xi32, #tpu.memory_space<hbm>>) dst(%arg9 : memref<4x128xi32, #tpu.memory_space<vmem>>)
      tpu.yield
    }) : () -> ()
    %dma_start3A = arith.constant 0 : i32
    %dma_start3A_3 = arith.constant 0 : i32
    %dma_start3A_4 = arith.constant 0 : i32
    %dma_start3A_5 = arith.constant 0 : i32
    %dma_start3A_6 = tpu.memref_slice %arg10[%dma_start3A_3, %dma_start3A_4, %dma_start3A_5] : memref<2x128x128xf32, #tpu.memory_space<vmem>> -> memref<1x128x128xf32, #tpu.memory_space<vmem>>
    %dma_start3A_7 = tpu.memref_squeeze %dma_start3A_6 : memref<1x128x128xf32, #tpu.memory_space<vmem>> -> memref<128x128xf32, #tpu.memory_space<vmem>>
    %dma_start3A_8 = arith.constant 0 : i32
    %dma_start3A_9 = tpu.memref_slice %arg8[%dma_start3A, %dma_start3A_8] : memref<4x128xi32, #tpu.memory_space<vmem>> -> memref<1x128xi32, #tpu.memory_space<vmem>>
    %dma_start3A_10 = tpu.memref_squeeze %dma_start3A_9 : memref<1x128xi32, #tpu.memory_space<vmem>> -> memref<128xi32, #tpu.memory_space<vmem>>
    %dma_start3A_11 = arith.constant 0 : i32
    %dma_start3A_12 = arith.constant 0 : i32
    %dma_start3A_13 = tpu.memref_slice %arg4[%dma_start3A_11, %dma_start3A_12] : memref<262144x128xf32, #tpu.memory_space<hbm>> -> memref<262144x128xf32, #tpu.memory_space<hbm>>
    tpu.enqueue_indirect_dma source(%dma_start3A_13 : memref<262144x128xf32, #tpu.memory_space<hbm>>) target(%dma_start3A_7 : memref<128x128xf32, #tpu.memory_space<vmem>>) offsets(%dma_start3A_10 : memref<128xi32, #tpu.memory_space<vmem>>) semaphore(%arg12 : memref<!tpu.dma_semaphore, #tpu.memory_space<semaphore_mem>>)
    %dma_start3A_14 = arith.constant 0 : i32
    %dma_start3A_15 = arith.constant 0 : i32
    %dma_start3A_16 = arith.constant 0 : i32
    %dma_start3A_17 = arith.constant 0 : i32
    %dma_start3A_18 = tpu.memref_slice %arg11[%dma_start3A_15, %dma_start3A_16, %dma_start3A_17] : memref<2x128x128xf32, #tpu.memory_space<vmem>> -> memref<1x128x128xf32, #tpu.memory_space<vmem>>
    %dma_start3A_19 = tpu.memref_squeeze %dma_start3A_18 : memref<1x128x128xf32, #tpu.memory_space<vmem>> -> memref<128x128xf32, #tpu.memory_space<vmem>>
    %dma_start3A_20 = arith.constant 0 : i32
    %dma_start3A_21 = tpu.memref_slice %arg9[%dma_start3A_14, %dma_start3A_20] : memref<4x128xi32, #tpu.memory_space<vmem>> -> memref<1x128xi32, #tpu.memory_space<vmem>>
    %dma_start3A_22 = tpu.memref_squeeze %dma_start3A_21 : memref<1x128xi32, #tpu.memory_space<vmem>> -> memref<128xi32, #tpu.memory_space<vmem>>
    %dma_start3A_23 = arith.constant 0 : i32
    %dma_start3A_24 = arith.constant 0 : i32
    %dma_start3A_25 = tpu.memref_slice %arg5[%dma_start3A_23, %dma_start3A_24] : memref<32768x128xf32, #tpu.memory_space<hbm>> -> memref<32768x128xf32, #tpu.memory_space<hbm>>
    tpu.enqueue_indirect_dma source(%dma_start3A_25 : memref<32768x128xf32, #tpu.memory_space<hbm>>) target(%dma_start3A_19 : memref<128x128xf32, #tpu.memory_space<vmem>>) offsets(%dma_start3A_22 : memref<128xi32, #tpu.memory_space<vmem>>) semaphore(%arg12 : memref<!tpu.dma_semaphore, #tpu.memory_space<semaphore_mem>>)
    %dma_wait3A = arith.constant 0 : i32
    %dma_wait3A_26 = arith.constant 0 : i32
    %dma_wait3A_27 = arith.constant 0 : i32
    %dma_wait3A_28 = arith.constant 0 : i32
    %dma_wait3A_29 = tpu.memref_slice %arg10[%dma_wait3A_26, %dma_wait3A_27, %dma_wait3A_28] : memref<2x128x128xf32, #tpu.memory_space<vmem>> -> memref<1x128x128xf32, #tpu.memory_space<vmem>>
    %dma_wait3A_30 = tpu.memref_squeeze %dma_wait3A_29 : memref<1x128x128xf32, #tpu.memory_space<vmem>> -> memref<128x128xf32, #tpu.memory_space<vmem>>
    %dma_wait3A_31 = arith.constant 0 : i32
    %dma_wait3A_32 = tpu.memref_slice %arg8[%dma_wait3A, %dma_wait3A_31] : memref<4x128xi32, #tpu.memory_space<vmem>> -> memref<1x128xi32, #tpu.memory_space<vmem>>
    %dma_wait3A_33 = tpu.memref_squeeze %dma_wait3A_32 : memref<1x128xi32, #tpu.memory_space<vmem>> -> memref<128xi32, #tpu.memory_space<vmem>>
    %dma_wait3A_34 = arith.constant 0 : i32
    %dma_wait3A_35 = arith.constant 0 : i32
    %dma_wait3A_36 = tpu.memref_slice %arg4[%dma_wait3A_34, %dma_wait3A_35] : memref<262144x128xf32, #tpu.memory_space<hbm>> -> memref<262144x128xf32, #tpu.memory_space<hbm>>
    tpu.wait_indirect_dma semaphore(%arg12 : memref<!tpu.dma_semaphore, #tpu.memory_space<semaphore_mem>>) src(%dma_wait3A_36 : memref<262144x128xf32, #tpu.memory_space<hbm>>) dst(%dma_wait3A_30 : memref<128x128xf32, #tpu.memory_space<vmem>>)
    %dma_wait3A_37 = arith.constant 0 : i32
    %dma_wait3A_38 = arith.constant 0 : i32
    %dma_wait3A_39 = arith.constant 0 : i32
    %dma_wait3A_40 = arith.constant 0 : i32
    %dma_wait3A_41 = tpu.memref_slice %arg11[%dma_wait3A_38, %dma_wait3A_39, %dma_wait3A_40] : memref<2x128x128xf32, #tpu.memory_space<vmem>> -> memref<1x128x128xf32, #tpu.memory_space<vmem>>
    %dma_wait3A_42 = tpu.memref_squeeze %dma_wait3A_41 : memref<1x128x128xf32, #tpu.memory_space<vmem>> -> memref<128x128xf32, #tpu.memory_space<vmem>>
    %dma_wait3A_43 = arith.constant 0 : i32
    %dma_wait3A_44 = tpu.memref_slice %arg9[%dma_wait3A_37, %dma_wait3A_43] : memref<4x128xi32, #tpu.memory_space<vmem>> -> memref<1x128xi32, #tpu.memory_space<vmem>>
    %dma_wait3A_45 = tpu.memref_squeeze %dma_wait3A_44 : memref<1x128xi32, #tpu.memory_space<vmem>> -> memref<128xi32, #tpu.memory_space<vmem>>
    %dma_wait3A_46 = arith.constant 0 : i32
    %dma_wait3A_47 = arith.constant 0 : i32
    %dma_wait3A_48 = tpu.memref_slice %arg5[%dma_wait3A_46, %dma_wait3A_47] : memref<32768x128xf32, #tpu.memory_space<hbm>> -> memref<32768x128xf32, #tpu.memory_space<hbm>>
    tpu.wait_indirect_dma semaphore(%arg12 : memref<!tpu.dma_semaphore, #tpu.memory_space<semaphore_mem>>) src(%dma_wait3A_48 : memref<32768x128xf32, #tpu.memory_space<hbm>>) dst(%dma_wait3A_42 : memref<128x128xf32, #tpu.memory_space<vmem>>)
    %add3A_49 = arith.constant 0 : i32
    %add3A_50 = arith.addi %mul3A_2, %add3A_49 : i32
    %dma_start3A_51 = arith.constant 0 : i32
    %dma_start3A_52 = arith.constant 0 : i32
    %dma_start3A_53 = arith.constant 0 : i32
    %dma_start3A_54 = tpu.memref_slice %arg10[%dma_start3A_51, %dma_start3A_52, %dma_start3A_53] : memref<2x128x128xf32, #tpu.memory_space<vmem>> -> memref<1x128x128xf32, #tpu.memory_space<vmem>>
    %dma_start3A_55 = tpu.memref_squeeze %dma_start3A_54 : memref<1x128x128xf32, #tpu.memory_space<vmem>> -> memref<128x128xf32, #tpu.memory_space<vmem>>
    %dma_start3A_56 = arith.constant 0 : i32
    %dma_start3A_57 = tpu.memref_slice %arg6[%add3A_50, %dma_start3A_56] : memref<16384x128xf32, #tpu.memory_space<hbm>> -> memref<128x128xf32, #tpu.memory_space<hbm>>
    %dma_start3A_58 = arith.constant 0 : i32
    %dma_start3A_59 = tpu.memref_slice %arg6[%add3A_50, %dma_start3A_58] : memref<16384x128xf32, #tpu.memory_space<hbm>> -> memref<128x128xf32, #tpu.memory_space<hbm>>
    %dma_start3A_60 = arith.constant 0 : i32
    %dma_start3A_61 = arith.constant 0 : i32
    %dma_start3A_62 = tpu.memref_slice %arg10[%dma_start3A_51, %dma_start3A_60, %dma_start3A_61] : memref<2x128x128xf32, #tpu.memory_space<vmem>> -> memref<1x128x128xf32, #tpu.memory_space<vmem>>
    %dma_start3A_63 = tpu.memref_squeeze %dma_start3A_62 : memref<1x128x128xf32, #tpu.memory_space<vmem>> -> memref<128x128xf32, #tpu.memory_space<vmem>>
    tpu.enqueue_dma source(%dma_start3A_63 : memref<128x128xf32, #tpu.memory_space<vmem>>) target(%dma_start3A_59 : memref<128x128xf32, #tpu.memory_space<hbm>>) target_semaphore(%arg13 : memref<!tpu.dma_semaphore, #tpu.memory_space<semaphore_mem>>)
    %dma_start3A_64 = arith.constant 0 : i32
    %dma_start3A_65 = arith.constant 0 : i32
    %dma_start3A_66 = arith.constant 0 : i32
    %dma_start3A_67 = tpu.memref_slice %arg11[%dma_start3A_64, %dma_start3A_65, %dma_start3A_66] : memref<2x128x128xf32, #tpu.memory_space<vmem>> -> memref<1x128x128xf32, #tpu.memory_space<vmem>>
    %dma_start3A_68 = tpu.memref_squeeze %dma_start3A_67 : memref<1x128x128xf32, #tpu.memory_space<vmem>> -> memref<128x128xf32, #tpu.memory_space<vmem>>
    %dma_start3A_69 = arith.constant 0 : i32
    %dma_start3A_70 = tpu.memref_slice %arg7[%add3A_50, %dma_start3A_69] : memref<16384x128xf32, #tpu.memory_space<hbm>> -> memref<128x128xf32, #tpu.memory_space<hbm>>
    %dma_start3A_71 = arith.constant 0 : i32
    %dma_start3A_72 = tpu.memref_slice %arg7[%add3A_50, %dma_start3A_71] : memref<16384x128xf32, #tpu.memory_space<hbm>> -> memref<128x128xf32, #tpu.memory_space<hbm>>
    %dma_start3A_73 = arith.constant 0 : i32
    %dma_start3A_74 = arith.constant 0 : i32
    %dma_start3A_75 = tpu.memref_slice %arg11[%dma_start3A_64, %dma_start3A_73, %dma_start3A_74] : memref<2x128x128xf32, #tpu.memory_space<vmem>> -> memref<1x128x128xf32, #tpu.memory_space<vmem>>
    %dma_start3A_76 = tpu.memref_squeeze %dma_start3A_75 : memref<1x128x128xf32, #tpu.memory_space<vmem>> -> memref<128x128xf32, #tpu.memory_space<vmem>>
    tpu.enqueue_dma source(%dma_start3A_76 : memref<128x128xf32, #tpu.memory_space<vmem>>) target(%dma_start3A_72 : memref<128x128xf32, #tpu.memory_space<hbm>>) target_semaphore(%arg13 : memref<!tpu.dma_semaphore, #tpu.memory_space<semaphore_mem>>)
    %dma_start3A_77 = arith.constant 1 : i32
    %dma_start3A_78 = arith.constant 1 : i32
    %dma_start3A_79 = arith.constant 0 : i32
    %dma_start3A_80 = arith.constant 0 : i32
    %dma_start3A_81 = tpu.memref_slice %arg10[%dma_start3A_78, %dma_start3A_79, %dma_start3A_80] : memref<2x128x128xf32, #tpu.memory_space<vmem>> -> memref<1x128x128xf32, #tpu.memory_space<vmem>>
    %dma_start3A_82 = tpu.memref_squeeze %dma_start3A_81 : memref<1x128x128xf32, #tpu.memory_space<vmem>> -> memref<128x128xf32, #tpu.memory_space<vmem>>
    %dma_start3A_83 = arith.constant 0 : i32
    %dma_start3A_84 = tpu.memref_slice %arg8[%dma_start3A_77, %dma_start3A_83] : memref<4x128xi32, #tpu.memory_space<vmem>> -> memref<1x128xi32, #tpu.memory_space<vmem>>
    %dma_start3A_85 = tpu.memref_squeeze %dma_start3A_84 : memref<1x128xi32, #tpu.memory_space<vmem>> -> memref<128xi32, #tpu.memory_space<vmem>>
    %dma_start3A_86 = arith.constant 0 : i32
    %dma_start3A_87 = arith.constant 0 : i32
    %dma_start3A_88 = tpu.memref_slice %arg4[%dma_start3A_86, %dma_start3A_87] : memref<262144x128xf32, #tpu.memory_space<hbm>> -> memref<262144x128xf32, #tpu.memory_space<hbm>>
    tpu.enqueue_indirect_dma source(%dma_start3A_88 : memref<262144x128xf32, #tpu.memory_space<hbm>>) target(%dma_start3A_82 : memref<128x128xf32, #tpu.memory_space<vmem>>) offsets(%dma_start3A_85 : memref<128xi32, #tpu.memory_space<vmem>>) semaphore(%arg12 : memref<!tpu.dma_semaphore, #tpu.memory_space<semaphore_mem>>)
    %dma_start3A_89 = arith.constant 1 : i32
    %dma_start3A_90 = arith.constant 1 : i32
    %dma_start3A_91 = arith.constant 0 : i32
    %dma_start3A_92 = arith.constant 0 : i32
    %dma_start3A_93 = tpu.memref_slice %arg11[%dma_start3A_90, %dma_start3A_91, %dma_start3A_92] : memref<2x128x128xf32, #tpu.memory_space<vmem>> -> memref<1x128x128xf32, #tpu.memory_space<vmem>>
    %dma_start3A_94 = tpu.memref_squeeze %dma_start3A_93 : memref<1x128x128xf32, #tpu.memory_space<vmem>> -> memref<128x128xf32, #tpu.memory_space<vmem>>
    %dma_start3A_95 = arith.constant 0 : i32
    %dma_start3A_96 = tpu.memref_slice %arg9[%dma_start3A_89, %dma_start3A_95] : memref<4x128xi32, #tpu.memory_space<vmem>> -> memref<1x128xi32, #tpu.memory_space<vmem>>
    %dma_start3A_97 = tpu.memref_squeeze %dma_start3A_96 : memref<1x128xi32, #tpu.memory_space<vmem>> -> memref<128xi32, #tpu.memory_space<vmem>>
    %dma_start3A_98 = arith.constant 0 : i32
    %dma_start3A_99 = arith.constant 0 : i32
    %dma_start3A_100 = tpu.memref_slice %arg5[%dma_start3A_98, %dma_start3A_99] : memref<32768x128xf32, #tpu.memory_space<hbm>> -> memref<32768x128xf32, #tpu.memory_space<hbm>>
    tpu.enqueue_indirect_dma source(%dma_start3A_100 : memref<32768x128xf32, #tpu.memory_space<hbm>>) target(%dma_start3A_94 : memref<128x128xf32, #tpu.memory_space<vmem>>) offsets(%dma_start3A_97 : memref<128xi32, #tpu.memory_space<vmem>>) semaphore(%arg12 : memref<!tpu.dma_semaphore, #tpu.memory_space<semaphore_mem>>)
    %dma_wait3A_101 = arith.constant 1 : i32
    %dma_wait3A_102 = arith.constant 1 : i32
    %dma_wait3A_103 = arith.constant 0 : i32
    %dma_wait3A_104 = arith.constant 0 : i32
    %dma_wait3A_105 = tpu.memref_slice %arg10[%dma_wait3A_102, %dma_wait3A_103, %dma_wait3A_104] : memref<2x128x128xf32, #tpu.memory_space<vmem>> -> memref<1x128x128xf32, #tpu.memory_space<vmem>>
    %dma_wait3A_106 = tpu.memref_squeeze %dma_wait3A_105 : memref<1x128x128xf32, #tpu.memory_space<vmem>> -> memref<128x128xf32, #tpu.memory_space<vmem>>
    %dma_wait3A_107 = arith.constant 0 : i32
    %dma_wait3A_108 = tpu.memref_slice %arg8[%dma_wait3A_101, %dma_wait3A_107] : memref<4x128xi32, #tpu.memory_space<vmem>> -> memref<1x128xi32, #tpu.memory_space<vmem>>
    %dma_wait3A_109 = tpu.memref_squeeze %dma_wait3A_108 : memref<1x128xi32, #tpu.memory_space<vmem>> -> memref<128xi32, #tpu.memory_space<vmem>>
    %dma_wait3A_110 = arith.constant 0 : i32
    %dma_wait3A_111 = arith.constant 0 : i32
    %dma_wait3A_112 = tpu.memref_slice %arg4[%dma_wait3A_110, %dma_wait3A_111] : memref<262144x128xf32, #tpu.memory_space<hbm>> -> memref<262144x128xf32, #tpu.memory_space<hbm>>
    tpu.wait_indirect_dma semaphore(%arg12 : memref<!tpu.dma_semaphore, #tpu.memory_space<semaphore_mem>>) src(%dma_wait3A_112 : memref<262144x128xf32, #tpu.memory_space<hbm>>) dst(%dma_wait3A_106 : memref<128x128xf32, #tpu.memory_space<vmem>>)
    %dma_wait3A_113 = arith.constant 1 : i32
    %dma_wait3A_114 = arith.constant 1 : i32
    %dma_wait3A_115 = arith.constant 0 : i32
    %dma_wait3A_116 = arith.constant 0 : i32
    %dma_wait3A_117 = tpu.memref_slice %arg11[%dma_wait3A_114, %dma_wait3A_115, %dma_wait3A_116] : memref<2x128x128xf32, #tpu.memory_space<vmem>> -> memref<1x128x128xf32, #tpu.memory_space<vmem>>
    %dma_wait3A_118 = tpu.memref_squeeze %dma_wait3A_117 : memref<1x128x128xf32, #tpu.memory_space<vmem>> -> memref<128x128xf32, #tpu.memory_space<vmem>>
    %dma_wait3A_119 = arith.constant 0 : i32
    %dma_wait3A_120 = tpu.memref_slice %arg9[%dma_wait3A_113, %dma_wait3A_119] : memref<4x128xi32, #tpu.memory_space<vmem>> -> memref<1x128xi32, #tpu.memory_space<vmem>>
    %dma_wait3A_121 = tpu.memref_squeeze %dma_wait3A_120 : memref<1x128xi32, #tpu.memory_space<vmem>> -> memref<128xi32, #tpu.memory_space<vmem>>
    %dma_wait3A_122 = arith.constant 0 : i32
    %dma_wait3A_123 = arith.constant 0 : i32
    %dma_wait3A_124 = tpu.memref_slice %arg5[%dma_wait3A_122, %dma_wait3A_123] : memref<32768x128xf32, #tpu.memory_space<hbm>> -> memref<32768x128xf32, #tpu.memory_space<hbm>>
    tpu.wait_indirect_dma semaphore(%arg12 : memref<!tpu.dma_semaphore, #tpu.memory_space<semaphore_mem>>) src(%dma_wait3A_124 : memref<32768x128xf32, #tpu.memory_space<hbm>>) dst(%dma_wait3A_118 : memref<128x128xf32, #tpu.memory_space<vmem>>)
    %add3A_125 = arith.constant 128 : i32
    %add3A_126 = arith.addi %mul3A_2, %add3A_125 : i32
    %dma_start3A_127 = arith.constant 1 : i32
    %dma_start3A_128 = arith.constant 0 : i32
    %dma_start3A_129 = arith.constant 0 : i32
    %dma_start3A_130 = tpu.memref_slice %arg10[%dma_start3A_127, %dma_start3A_128, %dma_start3A_129] : memref<2x128x128xf32, #tpu.memory_space<vmem>> -> memref<1x128x128xf32, #tpu.memory_space<vmem>>
    %dma_start3A_131 = tpu.memref_squeeze %dma_start3A_130 : memref<1x128x128xf32, #tpu.memory_space<vmem>> -> memref<128x128xf32, #tpu.memory_space<vmem>>
    %dma_start3A_132 = arith.constant 0 : i32
    %dma_start3A_133 = tpu.memref_slice %arg6[%add3A_126, %dma_start3A_132] : memref<16384x128xf32, #tpu.memory_space<hbm>> -> memref<128x128xf32, #tpu.memory_space<hbm>>
    %dma_start3A_134 = arith.constant 0 : i32
    %dma_start3A_135 = tpu.memref_slice %arg6[%add3A_126, %dma_start3A_134] : memref<16384x128xf32, #tpu.memory_space<hbm>> -> memref<128x128xf32, #tpu.memory_space<hbm>>
    %dma_start3A_136 = arith.constant 0 : i32
    %dma_start3A_137 = arith.constant 0 : i32
    %dma_start3A_138 = tpu.memref_slice %arg10[%dma_start3A_127, %dma_start3A_136, %dma_start3A_137] : memref<2x128x128xf32, #tpu.memory_space<vmem>> -> memref<1x128x128xf32, #tpu.memory_space<vmem>>
    %dma_start3A_139 = tpu.memref_squeeze %dma_start3A_138 : memref<1x128x128xf32, #tpu.memory_space<vmem>> -> memref<128x128xf32, #tpu.memory_space<vmem>>
    tpu.enqueue_dma source(%dma_start3A_139 : memref<128x128xf32, #tpu.memory_space<vmem>>) target(%dma_start3A_135 : memref<128x128xf32, #tpu.memory_space<hbm>>) target_semaphore(%arg13 : memref<!tpu.dma_semaphore, #tpu.memory_space<semaphore_mem>>)
    %dma_start3A_140 = arith.constant 1 : i32
    %dma_start3A_141 = arith.constant 0 : i32
    %dma_start3A_142 = arith.constant 0 : i32
    %dma_start3A_143 = tpu.memref_slice %arg11[%dma_start3A_140, %dma_start3A_141, %dma_start3A_142] : memref<2x128x128xf32, #tpu.memory_space<vmem>> -> memref<1x128x128xf32, #tpu.memory_space<vmem>>
    %dma_start3A_144 = tpu.memref_squeeze %dma_start3A_143 : memref<1x128x128xf32, #tpu.memory_space<vmem>> -> memref<128x128xf32, #tpu.memory_space<vmem>>
    %dma_start3A_145 = arith.constant 0 : i32
    %dma_start3A_146 = tpu.memref_slice %arg7[%add3A_126, %dma_start3A_145] : memref<16384x128xf32, #tpu.memory_space<hbm>> -> memref<128x128xf32, #tpu.memory_space<hbm>>
    %dma_start3A_147 = arith.constant 0 : i32
    %dma_start3A_148 = tpu.memref_slice %arg7[%add3A_126, %dma_start3A_147] : memref<16384x128xf32, #tpu.memory_space<hbm>> -> memref<128x128xf32, #tpu.memory_space<hbm>>
    %dma_start3A_149 = arith.constant 0 : i32
    %dma_start3A_150 = arith.constant 0 : i32
    %dma_start3A_151 = tpu.memref_slice %arg11[%dma_start3A_140, %dma_start3A_149, %dma_start3A_150] : memref<2x128x128xf32, #tpu.memory_space<vmem>> -> memref<1x128x128xf32, #tpu.memory_space<vmem>>
    %dma_start3A_152 = tpu.memref_squeeze %dma_start3A_151 : memref<1x128x128xf32, #tpu.memory_space<vmem>> -> memref<128x128xf32, #tpu.memory_space<vmem>>
    tpu.enqueue_dma source(%dma_start3A_152 : memref<128x128xf32, #tpu.memory_space<vmem>>) target(%dma_start3A_148 : memref<128x128xf32, #tpu.memory_space<hbm>>) target_semaphore(%arg13 : memref<!tpu.dma_semaphore, #tpu.memory_space<semaphore_mem>>)
    %dma_wait3A_153 = arith.constant 0 : i32
    %dma_wait3A_154 = arith.constant 0 : i32
    %dma_wait3A_155 = arith.constant 0 : i32
    %dma_wait3A_156 = tpu.memref_slice %arg10[%dma_wait3A_153, %dma_wait3A_154, %dma_wait3A_155] : memref<2x128x128xf32, #tpu.memory_space<vmem>> -> memref<1x128x128xf32, #tpu.memory_space<vmem>>
    %dma_wait3A_157 = tpu.memref_squeeze %dma_wait3A_156 : memref<1x128x128xf32, #tpu.memory_space<vmem>> -> memref<128x128xf32, #tpu.memory_space<vmem>>
    %dma_wait3A_158 = arith.constant 0 : i32
    %dma_wait3A_159 = tpu.memref_slice %arg6[%add3A_50, %dma_wait3A_158] : memref<16384x128xf32, #tpu.memory_space<hbm>> -> memref<128x128xf32, #tpu.memory_space<hbm>>
    %dma_wait3A_160 = arith.constant 0 : i32
    %dma_wait3A_161 = tpu.memref_slice %arg6[%add3A_50, %dma_wait3A_160] : memref<16384x128xf32, #tpu.memory_space<hbm>> -> memref<128x128xf32, #tpu.memory_space<hbm>>
    %dma_wait3A_162 = arith.constant 0 : i32
    %dma_wait3A_163 = arith.constant 0 : i32
    %dma_wait3A_164 = tpu.memref_slice %arg10[%dma_wait3A_153, %dma_wait3A_162, %dma_wait3A_163] : memref<2x128x128xf32, #tpu.memory_space<vmem>> -> memref<1x128x128xf32, #tpu.memory_space<vmem>>
    %dma_wait3A_165 = tpu.memref_squeeze %dma_wait3A_164 : memref<1x128x128xf32, #tpu.memory_space<vmem>> -> memref<128x128xf32, #tpu.memory_space<vmem>>
    tpu.wait_dma2 semaphore(%arg13 : memref<!tpu.dma_semaphore, #tpu.memory_space<semaphore_mem>>) src(%dma_wait3A_165 : memref<128x128xf32, #tpu.memory_space<vmem>>) dst(%dma_wait3A_161 : memref<128x128xf32, #tpu.memory_space<hbm>>)
    %dma_wait3A_166 = arith.constant 0 : i32
    %dma_wait3A_167 = arith.constant 0 : i32
    %dma_wait3A_168 = arith.constant 0 : i32
    %dma_wait3A_169 = tpu.memref_slice %arg11[%dma_wait3A_166, %dma_wait3A_167, %dma_wait3A_168] : memref<2x128x128xf32, #tpu.memory_space<vmem>> -> memref<1x128x128xf32, #tpu.memory_space<vmem>>
    %dma_wait3A_170 = tpu.memref_squeeze %dma_wait3A_169 : memref<1x128x128xf32, #tpu.memory_space<vmem>> -> memref<128x128xf32, #tpu.memory_space<vmem>>
    %dma_wait3A_171 = arith.constant 0 : i32
    %dma_wait3A_172 = tpu.memref_slice %arg7[%add3A_50, %dma_wait3A_171] : memref<16384x128xf32, #tpu.memory_space<hbm>> -> memref<128x128xf32, #tpu.memory_space<hbm>>
    %dma_wait3A_173 = arith.constant 0 : i32
    %dma_wait3A_174 = tpu.memref_slice %arg7[%add3A_50, %dma_wait3A_173] : memref<16384x128xf32, #tpu.memory_space<hbm>> -> memref<128x128xf32, #tpu.memory_space<hbm>>
    %dma_wait3A_175 = arith.constant 0 : i32
    %dma_wait3A_176 = arith.constant 0 : i32
    %dma_wait3A_177 = tpu.memref_slice %arg11[%dma_wait3A_166, %dma_wait3A_175, %dma_wait3A_176] : memref<2x128x128xf32, #tpu.memory_space<vmem>> -> memref<1x128x128xf32, #tpu.memory_space<vmem>>
    %dma_wait3A_178 = tpu.memref_squeeze %dma_wait3A_177 : memref<1x128x128xf32, #tpu.memory_space<vmem>> -> memref<128x128xf32, #tpu.memory_space<vmem>>
    tpu.wait_dma2 semaphore(%arg13 : memref<!tpu.dma_semaphore, #tpu.memory_space<semaphore_mem>>) src(%dma_wait3A_178 : memref<128x128xf32, #tpu.memory_space<vmem>>) dst(%dma_wait3A_174 : memref<128x128xf32, #tpu.memory_space<hbm>>)
    %dma_start3A_179 = arith.constant 2 : i32
    %dma_start3A_180 = arith.constant 0 : i32
    %dma_start3A_181 = arith.constant 0 : i32
    %dma_start3A_182 = arith.constant 0 : i32
    %dma_start3A_183 = tpu.memref_slice %arg10[%dma_start3A_180, %dma_start3A_181, %dma_start3A_182] : memref<2x128x128xf32, #tpu.memory_space<vmem>> -> memref<1x128x128xf32, #tpu.memory_space<vmem>>
    %dma_start3A_184 = tpu.memref_squeeze %dma_start3A_183 : memref<1x128x128xf32, #tpu.memory_space<vmem>> -> memref<128x128xf32, #tpu.memory_space<vmem>>
    %dma_start3A_185 = arith.constant 0 : i32
    %dma_start3A_186 = tpu.memref_slice %arg8[%dma_start3A_179, %dma_start3A_185] : memref<4x128xi32, #tpu.memory_space<vmem>> -> memref<1x128xi32, #tpu.memory_space<vmem>>
    %dma_start3A_187 = tpu.memref_squeeze %dma_start3A_186 : memref<1x128xi32, #tpu.memory_space<vmem>> -> memref<128xi32, #tpu.memory_space<vmem>>
    %dma_start3A_188 = arith.constant 0 : i32
    %dma_start3A_189 = arith.constant 0 : i32
    %dma_start3A_190 = tpu.memref_slice %arg4[%dma_start3A_188, %dma_start3A_189] : memref<262144x128xf32, #tpu.memory_space<hbm>> -> memref<262144x128xf32, #tpu.memory_space<hbm>>
    tpu.enqueue_indirect_dma source(%dma_start3A_190 : memref<262144x128xf32, #tpu.memory_space<hbm>>) target(%dma_start3A_184 : memref<128x128xf32, #tpu.memory_space<vmem>>) offsets(%dma_start3A_187 : memref<128xi32, #tpu.memory_space<vmem>>) semaphore(%arg12 : memref<!tpu.dma_semaphore, #tpu.memory_space<semaphore_mem>>)
    %dma_start3A_191 = arith.constant 2 : i32
    %dma_start3A_192 = arith.constant 0 : i32
    %dma_start3A_193 = arith.constant 0 : i32
    %dma_start3A_194 = arith.constant 0 : i32
    %dma_start3A_195 = tpu.memref_slice %arg11[%dma_start3A_192, %dma_start3A_193, %dma_start3A_194] : memref<2x128x128xf32, #tpu.memory_space<vmem>> -> memref<1x128x128xf32, #tpu.memory_space<vmem>>
    %dma_start3A_196 = tpu.memref_squeeze %dma_start3A_195 : memref<1x128x128xf32, #tpu.memory_space<vmem>> -> memref<128x128xf32, #tpu.memory_space<vmem>>
    %dma_start3A_197 = arith.constant 0 : i32
    %dma_start3A_198 = tpu.memref_slice %arg9[%dma_start3A_191, %dma_start3A_197] : memref<4x128xi32, #tpu.memory_space<vmem>> -> memref<1x128xi32, #tpu.memory_space<vmem>>
    %dma_start3A_199 = tpu.memref_squeeze %dma_start3A_198 : memref<1x128xi32, #tpu.memory_space<vmem>> -> memref<128xi32, #tpu.memory_space<vmem>>
    %dma_start3A_200 = arith.constant 0 : i32
    %dma_start3A_201 = arith.constant 0 : i32
    %dma_start3A_202 = tpu.memref_slice %arg5[%dma_start3A_200, %dma_start3A_201] : memref<32768x128xf32, #tpu.memory_space<hbm>> -> memref<32768x128xf32, #tpu.memory_space<hbm>>
    tpu.enqueue_indirect_dma source(%dma_start3A_202 : memref<32768x128xf32, #tpu.memory_space<hbm>>) target(%dma_start3A_196 : memref<128x128xf32, #tpu.memory_space<vmem>>) offsets(%dma_start3A_199 : memref<128xi32, #tpu.memory_space<vmem>>) semaphore(%arg12 : memref<!tpu.dma_semaphore, #tpu.memory_space<semaphore_mem>>)
    %dma_wait3A_203 = arith.constant 2 : i32
    %dma_wait3A_204 = arith.constant 0 : i32
    %dma_wait3A_205 = arith.constant 0 : i32
    %dma_wait3A_206 = arith.constant 0 : i32
    %dma_wait3A_207 = tpu.memref_slice %arg10[%dma_wait3A_204, %dma_wait3A_205, %dma_wait3A_206] : memref<2x128x128xf32, #tpu.memory_space<vmem>> -> memref<1x128x128xf32, #tpu.memory_space<vmem>>
    %dma_wait3A_208 = tpu.memref_squeeze %dma_wait3A_207 : memref<1x128x128xf32, #tpu.memory_space<vmem>> -> memref<128x128xf32, #tpu.memory_space<vmem>>
    %dma_wait3A_209 = arith.constant 0 : i32
    %dma_wait3A_210 = tpu.memref_slice %arg8[%dma_wait3A_203, %dma_wait3A_209] : memref<4x128xi32, #tpu.memory_space<vmem>> -> memref<1x128xi32, #tpu.memory_space<vmem>>
    %dma_wait3A_211 = tpu.memref_squeeze %dma_wait3A_210 : memref<1x128xi32, #tpu.memory_space<vmem>> -> memref<128xi32, #tpu.memory_space<vmem>>
    %dma_wait3A_212 = arith.constant 0 : i32
    %dma_wait3A_213 = arith.constant 0 : i32
    %dma_wait3A_214 = tpu.memref_slice %arg4[%dma_wait3A_212, %dma_wait3A_213] : memref<262144x128xf32, #tpu.memory_space<hbm>> -> memref<262144x128xf32, #tpu.memory_space<hbm>>
    tpu.wait_indirect_dma semaphore(%arg12 : memref<!tpu.dma_semaphore, #tpu.memory_space<semaphore_mem>>) src(%dma_wait3A_214 : memref<262144x128xf32, #tpu.memory_space<hbm>>) dst(%dma_wait3A_208 : memref<128x128xf32, #tpu.memory_space<vmem>>)
    %dma_wait3A_215 = arith.constant 2 : i32
    %dma_wait3A_216 = arith.constant 0 : i32
    %dma_wait3A_217 = arith.constant 0 : i32
    %dma_wait3A_218 = arith.constant 0 : i32
    %dma_wait3A_219 = tpu.memref_slice %arg11[%dma_wait3A_216, %dma_wait3A_217, %dma_wait3A_218] : memref<2x128x128xf32, #tpu.memory_space<vmem>> -> memref<1x128x128xf32, #tpu.memory_space<vmem>>
    %dma_wait3A_220 = tpu.memref_squeeze %dma_wait3A_219 : memref<1x128x128xf32, #tpu.memory_space<vmem>> -> memref<128x128xf32, #tpu.memory_space<vmem>>
    %dma_wait3A_221 = arith.constant 0 : i32
    %dma_wait3A_222 = tpu.memref_slice %arg9[%dma_wait3A_215, %dma_wait3A_221] : memref<4x128xi32, #tpu.memory_space<vmem>> -> memref<1x128xi32, #tpu.memory_space<vmem>>
    %dma_wait3A_223 = tpu.memref_squeeze %dma_wait3A_222 : memref<1x128xi32, #tpu.memory_space<vmem>> -> memref<128xi32, #tpu.memory_space<vmem>>
    %dma_wait3A_224 = arith.constant 0 : i32
    %dma_wait3A_225 = arith.constant 0 : i32
    %dma_wait3A_226 = tpu.memref_slice %arg5[%dma_wait3A_224, %dma_wait3A_225] : memref<32768x128xf32, #tpu.memory_space<hbm>> -> memref<32768x128xf32, #tpu.memory_space<hbm>>
    tpu.wait_indirect_dma semaphore(%arg12 : memref<!tpu.dma_semaphore, #tpu.memory_space<semaphore_mem>>) src(%dma_wait3A_226 : memref<32768x128xf32, #tpu.memory_space<hbm>>) dst(%dma_wait3A_220 : memref<128x128xf32, #tpu.memory_space<vmem>>)
    %add3A_227 = arith.constant 256 : i32
    %add3A_228 = arith.addi %mul3A_2, %add3A_227 : i32
    %dma_start3A_229 = arith.constant 0 : i32
    %dma_start3A_230 = arith.constant 0 : i32
    %dma_start3A_231 = arith.constant 0 : i32
    %dma_start3A_232 = tpu.memref_slice %arg10[%dma_start3A_229, %dma_start3A_230, %dma_start3A_231] : memref<2x128x128xf32, #tpu.memory_space<vmem>> -> memref<1x128x128xf32, #tpu.memory_space<vmem>>
    %dma_start3A_233 = tpu.memref_squeeze %dma_start3A_232 : memref<1x128x128xf32, #tpu.memory_space<vmem>> -> memref<128x128xf32, #tpu.memory_space<vmem>>
    %dma_start3A_234 = arith.constant 0 : i32
    %dma_start3A_235 = tpu.memref_slice %arg6[%add3A_228, %dma_start3A_234] : memref<16384x128xf32, #tpu.memory_space<hbm>> -> memref<128x128xf32, #tpu.memory_space<hbm>>
    %dma_start3A_236 = arith.constant 0 : i32
    %dma_start3A_237 = tpu.memref_slice %arg6[%add3A_228, %dma_start3A_236] : memref<16384x128xf32, #tpu.memory_space<hbm>> -> memref<128x128xf32, #tpu.memory_space<hbm>>
    %dma_start3A_238 = arith.constant 0 : i32
    %dma_start3A_239 = arith.constant 0 : i32
    %dma_start3A_240 = tpu.memref_slice %arg10[%dma_start3A_229, %dma_start3A_238, %dma_start3A_239] : memref<2x128x128xf32, #tpu.memory_space<vmem>> -> memref<1x128x128xf32, #tpu.memory_space<vmem>>
    %dma_start3A_241 = tpu.memref_squeeze %dma_start3A_240 : memref<1x128x128xf32, #tpu.memory_space<vmem>> -> memref<128x128xf32, #tpu.memory_space<vmem>>
    tpu.enqueue_dma source(%dma_start3A_241 : memref<128x128xf32, #tpu.memory_space<vmem>>) target(%dma_start3A_237 : memref<128x128xf32, #tpu.memory_space<hbm>>) target_semaphore(%arg13 : memref<!tpu.dma_semaphore, #tpu.memory_space<semaphore_mem>>)
    %dma_start3A_242 = arith.constant 0 : i32
    %dma_start3A_243 = arith.constant 0 : i32
    %dma_start3A_244 = arith.constant 0 : i32
    %dma_start3A_245 = tpu.memref_slice %arg11[%dma_start3A_242, %dma_start3A_243, %dma_start3A_244] : memref<2x128x128xf32, #tpu.memory_space<vmem>> -> memref<1x128x128xf32, #tpu.memory_space<vmem>>
    %dma_start3A_246 = tpu.memref_squeeze %dma_start3A_245 : memref<1x128x128xf32, #tpu.memory_space<vmem>> -> memref<128x128xf32, #tpu.memory_space<vmem>>
    %dma_start3A_247 = arith.constant 0 : i32
    %dma_start3A_248 = tpu.memref_slice %arg7[%add3A_228, %dma_start3A_247] : memref<16384x128xf32, #tpu.memory_space<hbm>> -> memref<128x128xf32, #tpu.memory_space<hbm>>
    %dma_start3A_249 = arith.constant 0 : i32
    %dma_start3A_250 = tpu.memref_slice %arg7[%add3A_228, %dma_start3A_249] : memref<16384x128xf32, #tpu.memory_space<hbm>> -> memref<128x128xf32, #tpu.memory_space<hbm>>
    %dma_start3A_251 = arith.constant 0 : i32
    %dma_start3A_252 = arith.constant 0 : i32
    %dma_start3A_253 = tpu.memref_slice %arg11[%dma_start3A_242, %dma_start3A_251, %dma_start3A_252] : memref<2x128x128xf32, #tpu.memory_space<vmem>> -> memref<1x128x128xf32, #tpu.memory_space<vmem>>
    %dma_start3A_254 = tpu.memref_squeeze %dma_start3A_253 : memref<1x128x128xf32, #tpu.memory_space<vmem>> -> memref<128x128xf32, #tpu.memory_space<vmem>>
    tpu.enqueue_dma source(%dma_start3A_254 : memref<128x128xf32, #tpu.memory_space<vmem>>) target(%dma_start3A_250 : memref<128x128xf32, #tpu.memory_space<hbm>>) target_semaphore(%arg13 : memref<!tpu.dma_semaphore, #tpu.memory_space<semaphore_mem>>)
    %dma_wait3A_255 = arith.constant 1 : i32
    %dma_wait3A_256 = arith.constant 0 : i32
    %dma_wait3A_257 = arith.constant 0 : i32
    %dma_wait3A_258 = tpu.memref_slice %arg10[%dma_wait3A_255, %dma_wait3A_256, %dma_wait3A_257] : memref<2x128x128xf32, #tpu.memory_space<vmem>> -> memref<1x128x128xf32, #tpu.memory_space<vmem>>
    %dma_wait3A_259 = tpu.memref_squeeze %dma_wait3A_258 : memref<1x128x128xf32, #tpu.memory_space<vmem>> -> memref<128x128xf32, #tpu.memory_space<vmem>>
    %dma_wait3A_260 = arith.constant 0 : i32
    %dma_wait3A_261 = tpu.memref_slice %arg6[%add3A_126, %dma_wait3A_260] : memref<16384x128xf32, #tpu.memory_space<hbm>> -> memref<128x128xf32, #tpu.memory_space<hbm>>
    %dma_wait3A_262 = arith.constant 0 : i32
    %dma_wait3A_263 = tpu.memref_slice %arg6[%add3A_126, %dma_wait3A_262] : memref<16384x128xf32, #tpu.memory_space<hbm>> -> memref<128x128xf32, #tpu.memory_space<hbm>>
    %dma_wait3A_264 = arith.constant 0 : i32
    %dma_wait3A_265 = arith.constant 0 : i32
    %dma_wait3A_266 = tpu.memref_slice %arg10[%dma_wait3A_255, %dma_wait3A_264, %dma_wait3A_265] : memref<2x128x128xf32, #tpu.memory_space<vmem>> -> memref<1x128x128xf32, #tpu.memory_space<vmem>>
    %dma_wait3A_267 = tpu.memref_squeeze %dma_wait3A_266 : memref<1x128x128xf32, #tpu.memory_space<vmem>> -> memref<128x128xf32, #tpu.memory_space<vmem>>
    tpu.wait_dma2 semaphore(%arg13 : memref<!tpu.dma_semaphore, #tpu.memory_space<semaphore_mem>>) src(%dma_wait3A_267 : memref<128x128xf32, #tpu.memory_space<vmem>>) dst(%dma_wait3A_263 : memref<128x128xf32, #tpu.memory_space<hbm>>)
    %dma_wait3A_268 = arith.constant 1 : i32
    %dma_wait3A_269 = arith.constant 0 : i32
    %dma_wait3A_270 = arith.constant 0 : i32
    %dma_wait3A_271 = tpu.memref_slice %arg11[%dma_wait3A_268, %dma_wait3A_269, %dma_wait3A_270] : memref<2x128x128xf32, #tpu.memory_space<vmem>> -> memref<1x128x128xf32, #tpu.memory_space<vmem>>
    %dma_wait3A_272 = tpu.memref_squeeze %dma_wait3A_271 : memref<1x128x128xf32, #tpu.memory_space<vmem>> -> memref<128x128xf32, #tpu.memory_space<vmem>>
    %dma_wait3A_273 = arith.constant 0 : i32
    %dma_wait3A_274 = tpu.memref_slice %arg7[%add3A_126, %dma_wait3A_273] : memref<16384x128xf32, #tpu.memory_space<hbm>> -> memref<128x128xf32, #tpu.memory_space<hbm>>
    %dma_wait3A_275 = arith.constant 0 : i32
    %dma_wait3A_276 = tpu.memref_slice %arg7[%add3A_126, %dma_wait3A_275] : memref<16384x128xf32, #tpu.memory_space<hbm>> -> memref<128x128xf32, #tpu.memory_space<hbm>>
    %dma_wait3A_277 = arith.constant 0 : i32
    %dma_wait3A_278 = arith.constant 0 : i32
    %dma_wait3A_279 = tpu.memref_slice %arg11[%dma_wait3A_268, %dma_wait3A_277, %dma_wait3A_278] : memref<2x128x128xf32, #tpu.memory_space<vmem>> -> memref<1x128x128xf32, #tpu.memory_space<vmem>>
    %dma_wait3A_280 = tpu.memref_squeeze %dma_wait3A_279 : memref<1x128x128xf32, #tpu.memory_space<vmem>> -> memref<128x128xf32, #tpu.memory_space<vmem>>
    tpu.wait_dma2 semaphore(%arg13 : memref<!tpu.dma_semaphore, #tpu.memory_space<semaphore_mem>>) src(%dma_wait3A_280 : memref<128x128xf32, #tpu.memory_space<vmem>>) dst(%dma_wait3A_276 : memref<128x128xf32, #tpu.memory_space<hbm>>)
    %dma_start3A_281 = arith.constant 3 : i32
    %dma_start3A_282 = arith.constant 1 : i32
    %dma_start3A_283 = arith.constant 0 : i32
    %dma_start3A_284 = arith.constant 0 : i32
    %dma_start3A_285 = tpu.memref_slice %arg10[%dma_start3A_282, %dma_start3A_283, %dma_start3A_284] : memref<2x128x128xf32, #tpu.memory_space<vmem>> -> memref<1x128x128xf32, #tpu.memory_space<vmem>>
    %dma_start3A_286 = tpu.memref_squeeze %dma_start3A_285 : memref<1x128x128xf32, #tpu.memory_space<vmem>> -> memref<128x128xf32, #tpu.memory_space<vmem>>
    %dma_start3A_287 = arith.constant 0 : i32
    %dma_start3A_288 = tpu.memref_slice %arg8[%dma_start3A_281, %dma_start3A_287] : memref<4x128xi32, #tpu.memory_space<vmem>> -> memref<1x128xi32, #tpu.memory_space<vmem>>
    %dma_start3A_289 = tpu.memref_squeeze %dma_start3A_288 : memref<1x128xi32, #tpu.memory_space<vmem>> -> memref<128xi32, #tpu.memory_space<vmem>>
    %dma_start3A_290 = arith.constant 0 : i32
    %dma_start3A_291 = arith.constant 0 : i32
    %dma_start3A_292 = tpu.memref_slice %arg4[%dma_start3A_290, %dma_start3A_291] : memref<262144x128xf32, #tpu.memory_space<hbm>> -> memref<262144x128xf32, #tpu.memory_space<hbm>>
    tpu.enqueue_indirect_dma source(%dma_start3A_292 : memref<262144x128xf32, #tpu.memory_space<hbm>>) target(%dma_start3A_286 : memref<128x128xf32, #tpu.memory_space<vmem>>) offsets(%dma_start3A_289 : memref<128xi32, #tpu.memory_space<vmem>>) semaphore(%arg12 : memref<!tpu.dma_semaphore, #tpu.memory_space<semaphore_mem>>)
    %dma_start3A_293 = arith.constant 3 : i32
    %dma_start3A_294 = arith.constant 1 : i32
    %dma_start3A_295 = arith.constant 0 : i32
    %dma_start3A_296 = arith.constant 0 : i32
    %dma_start3A_297 = tpu.memref_slice %arg11[%dma_start3A_294, %dma_start3A_295, %dma_start3A_296] : memref<2x128x128xf32, #tpu.memory_space<vmem>> -> memref<1x128x128xf32, #tpu.memory_space<vmem>>
    %dma_start3A_298 = tpu.memref_squeeze %dma_start3A_297 : memref<1x128x128xf32, #tpu.memory_space<vmem>> -> memref<128x128xf32, #tpu.memory_space<vmem>>
    %dma_start3A_299 = arith.constant 0 : i32
    %dma_start3A_300 = tpu.memref_slice %arg9[%dma_start3A_293, %dma_start3A_299] : memref<4x128xi32, #tpu.memory_space<vmem>> -> memref<1x128xi32, #tpu.memory_space<vmem>>
    %dma_start3A_301 = tpu.memref_squeeze %dma_start3A_300 : memref<1x128xi32, #tpu.memory_space<vmem>> -> memref<128xi32, #tpu.memory_space<vmem>>
    %dma_start3A_302 = arith.constant 0 : i32
    %dma_start3A_303 = arith.constant 0 : i32
    %dma_start3A_304 = tpu.memref_slice %arg5[%dma_start3A_302, %dma_start3A_303] : memref<32768x128xf32, #tpu.memory_space<hbm>> -> memref<32768x128xf32, #tpu.memory_space<hbm>>
    tpu.enqueue_indirect_dma source(%dma_start3A_304 : memref<32768x128xf32, #tpu.memory_space<hbm>>) target(%dma_start3A_298 : memref<128x128xf32, #tpu.memory_space<vmem>>) offsets(%dma_start3A_301 : memref<128xi32, #tpu.memory_space<vmem>>) semaphore(%arg12 : memref<!tpu.dma_semaphore, #tpu.memory_space<semaphore_mem>>)
    %dma_wait3A_305 = arith.constant 3 : i32
    %dma_wait3A_306 = arith.constant 1 : i32
    %dma_wait3A_307 = arith.constant 0 : i32
    %dma_wait3A_308 = arith.constant 0 : i32
    %dma_wait3A_309 = tpu.memref_slice %arg10[%dma_wait3A_306, %dma_wait3A_307, %dma_wait3A_308] : memref<2x128x128xf32, #tpu.memory_space<vmem>> -> memref<1x128x128xf32, #tpu.memory_space<vmem>>
    %dma_wait3A_310 = tpu.memref_squeeze %dma_wait3A_309 : memref<1x128x128xf32, #tpu.memory_space<vmem>> -> memref<128x128xf32, #tpu.memory_space<vmem>>
    %dma_wait3A_311 = arith.constant 0 : i32
    %dma_wait3A_312 = tpu.memref_slice %arg8[%dma_wait3A_305, %dma_wait3A_311] : memref<4x128xi32, #tpu.memory_space<vmem>> -> memref<1x128xi32, #tpu.memory_space<vmem>>
    %dma_wait3A_313 = tpu.memref_squeeze %dma_wait3A_312 : memref<1x128xi32, #tpu.memory_space<vmem>> -> memref<128xi32, #tpu.memory_space<vmem>>
    %dma_wait3A_314 = arith.constant 0 : i32
    %dma_wait3A_315 = arith.constant 0 : i32
    %dma_wait3A_316 = tpu.memref_slice %arg4[%dma_wait3A_314, %dma_wait3A_315] : memref<262144x128xf32, #tpu.memory_space<hbm>> -> memref<262144x128xf32, #tpu.memory_space<hbm>>
    tpu.wait_indirect_dma semaphore(%arg12 : memref<!tpu.dma_semaphore, #tpu.memory_space<semaphore_mem>>) src(%dma_wait3A_316 : memref<262144x128xf32, #tpu.memory_space<hbm>>) dst(%dma_wait3A_310 : memref<128x128xf32, #tpu.memory_space<vmem>>)
    %dma_wait3A_317 = arith.constant 3 : i32
    %dma_wait3A_318 = arith.constant 1 : i32
    %dma_wait3A_319 = arith.constant 0 : i32
    %dma_wait3A_320 = arith.constant 0 : i32
    %dma_wait3A_321 = tpu.memref_slice %arg11[%dma_wait3A_318, %dma_wait3A_319, %dma_wait3A_320] : memref<2x128x128xf32, #tpu.memory_space<vmem>> -> memref<1x128x128xf32, #tpu.memory_space<vmem>>
    %dma_wait3A_322 = tpu.memref_squeeze %dma_wait3A_321 : memref<1x128x128xf32, #tpu.memory_space<vmem>> -> memref<128x128xf32, #tpu.memory_space<vmem>>
    %dma_wait3A_323 = arith.constant 0 : i32
    %dma_wait3A_324 = tpu.memref_slice %arg9[%dma_wait3A_317, %dma_wait3A_323] : memref<4x128xi32, #tpu.memory_space<vmem>> -> memref<1x128xi32, #tpu.memory_space<vmem>>
    %dma_wait3A_325 = tpu.memref_squeeze %dma_wait3A_324 : memref<1x128xi32, #tpu.memory_space<vmem>> -> memref<128xi32, #tpu.memory_space<vmem>>
    %dma_wait3A_326 = arith.constant 0 : i32
    %dma_wait3A_327 = arith.constant 0 : i32
    %dma_wait3A_328 = tpu.memref_slice %arg5[%dma_wait3A_326, %dma_wait3A_327] : memref<32768x128xf32, #tpu.memory_space<hbm>> -> memref<32768x128xf32, #tpu.memory_space<hbm>>
    tpu.wait_indirect_dma semaphore(%arg12 : memref<!tpu.dma_semaphore, #tpu.memory_space<semaphore_mem>>) src(%dma_wait3A_328 : memref<32768x128xf32, #tpu.memory_space<hbm>>) dst(%dma_wait3A_322 : memref<128x128xf32, #tpu.memory_space<vmem>>)
    %add3A_329 = arith.constant 384 : i32
    %add3A_330 = arith.addi %mul3A_2, %add3A_329 : i32
    %dma_start3A_331 = arith.constant 1 : i32
    %dma_start3A_332 = arith.constant 0 : i32
    %dma_start3A_333 = arith.constant 0 : i32
    %dma_start3A_334 = tpu.memref_slice %arg10[%dma_start3A_331, %dma_start3A_332, %dma_start3A_333] : memref<2x128x128xf32, #tpu.memory_space<vmem>> -> memref<1x128x128xf32, #tpu.memory_space<vmem>>
    %dma_start3A_335 = tpu.memref_squeeze %dma_start3A_334 : memref<1x128x128xf32, #tpu.memory_space<vmem>> -> memref<128x128xf32, #tpu.memory_space<vmem>>
    %dma_start3A_336 = arith.constant 0 : i32
    %dma_start3A_337 = tpu.memref_slice %arg6[%add3A_330, %dma_start3A_336] : memref<16384x128xf32, #tpu.memory_space<hbm>> -> memref<128x128xf32, #tpu.memory_space<hbm>>
    %dma_start3A_338 = arith.constant 0 : i32
    %dma_start3A_339 = tpu.memref_slice %arg6[%add3A_330, %dma_start3A_338] : memref<16384x128xf32, #tpu.memory_space<hbm>> -> memref<128x128xf32, #tpu.memory_space<hbm>>
    %dma_start3A_340 = arith.constant 0 : i32
    %dma_start3A_341 = arith.constant 0 : i32
    %dma_start3A_342 = tpu.memref_slice %arg10[%dma_start3A_331, %dma_start3A_340, %dma_start3A_341] : memref<2x128x128xf32, #tpu.memory_space<vmem>> -> memref<1x128x128xf32, #tpu.memory_space<vmem>>
    %dma_start3A_343 = tpu.memref_squeeze %dma_start3A_342 : memref<1x128x128xf32, #tpu.memory_space<vmem>> -> memref<128x128xf32, #tpu.memory_space<vmem>>
    tpu.enqueue_dma source(%dma_start3A_343 : memref<128x128xf32, #tpu.memory_space<vmem>>) target(%dma_start3A_339 : memref<128x128xf32, #tpu.memory_space<hbm>>) target_semaphore(%arg13 : memref<!tpu.dma_semaphore, #tpu.memory_space<semaphore_mem>>)
    %dma_start3A_344 = arith.constant 1 : i32
    %dma_start3A_345 = arith.constant 0 : i32
    %dma_start3A_346 = arith.constant 0 : i32
    %dma_start3A_347 = tpu.memref_slice %arg11[%dma_start3A_344, %dma_start3A_345, %dma_start3A_346] : memref<2x128x128xf32, #tpu.memory_space<vmem>> -> memref<1x128x128xf32, #tpu.memory_space<vmem>>
    %dma_start3A_348 = tpu.memref_squeeze %dma_start3A_347 : memref<1x128x128xf32, #tpu.memory_space<vmem>> -> memref<128x128xf32, #tpu.memory_space<vmem>>
    %dma_start3A_349 = arith.constant 0 : i32
    %dma_start3A_350 = tpu.memref_slice %arg7[%add3A_330, %dma_start3A_349] : memref<16384x128xf32, #tpu.memory_space<hbm>> -> memref<128x128xf32, #tpu.memory_space<hbm>>
    %dma_start3A_351 = arith.constant 0 : i32
    %dma_start3A_352 = tpu.memref_slice %arg7[%add3A_330, %dma_start3A_351] : memref<16384x128xf32, #tpu.memory_space<hbm>> -> memref<128x128xf32, #tpu.memory_space<hbm>>
    %dma_start3A_353 = arith.constant 0 : i32
    %dma_start3A_354 = arith.constant 0 : i32
    %dma_start3A_355 = tpu.memref_slice %arg11[%dma_start3A_344, %dma_start3A_353, %dma_start3A_354] : memref<2x128x128xf32, #tpu.memory_space<vmem>> -> memref<1x128x128xf32, #tpu.memory_space<vmem>>
    %dma_start3A_356 = tpu.memref_squeeze %dma_start3A_355 : memref<1x128x128xf32, #tpu.memory_space<vmem>> -> memref<128x128xf32, #tpu.memory_space<vmem>>
    tpu.enqueue_dma source(%dma_start3A_356 : memref<128x128xf32, #tpu.memory_space<vmem>>) target(%dma_start3A_352 : memref<128x128xf32, #tpu.memory_space<hbm>>) target_semaphore(%arg13 : memref<!tpu.dma_semaphore, #tpu.memory_space<semaphore_mem>>)
    %dma_wait3A_357 = arith.constant 0 : i32
    %dma_wait3A_358 = arith.constant 0 : i32
    %dma_wait3A_359 = arith.constant 0 : i32
    %dma_wait3A_360 = tpu.memref_slice %arg10[%dma_wait3A_357, %dma_wait3A_358, %dma_wait3A_359] : memref<2x128x128xf32, #tpu.memory_space<vmem>> -> memref<1x128x128xf32, #tpu.memory_space<vmem>>
    %dma_wait3A_361 = tpu.memref_squeeze %dma_wait3A_360 : memref<1x128x128xf32, #tpu.memory_space<vmem>> -> memref<128x128xf32, #tpu.memory_space<vmem>>
    %dma_wait3A_362 = arith.constant 0 : i32
    %dma_wait3A_363 = tpu.memref_slice %arg6[%add3A_228, %dma_wait3A_362] : memref<16384x128xf32, #tpu.memory_space<hbm>> -> memref<128x128xf32, #tpu.memory_space<hbm>>
    %dma_wait3A_364 = arith.constant 0 : i32
    %dma_wait3A_365 = tpu.memref_slice %arg6[%add3A_228, %dma_wait3A_364] : memref<16384x128xf32, #tpu.memory_space<hbm>> -> memref<128x128xf32, #tpu.memory_space<hbm>>
    %dma_wait3A_366 = arith.constant 0 : i32
    %dma_wait3A_367 = arith.constant 0 : i32
    %dma_wait3A_368 = tpu.memref_slice %arg10[%dma_wait3A_357, %dma_wait3A_366, %dma_wait3A_367] : memref<2x128x128xf32, #tpu.memory_space<vmem>> -> memref<1x128x128xf32, #tpu.memory_space<vmem>>
    %dma_wait3A_369 = tpu.memref_squeeze %dma_wait3A_368 : memref<1x128x128xf32, #tpu.memory_space<vmem>> -> memref<128x128xf32, #tpu.memory_space<vmem>>
    tpu.wait_dma2 semaphore(%arg13 : memref<!tpu.dma_semaphore, #tpu.memory_space<semaphore_mem>>) src(%dma_wait3A_369 : memref<128x128xf32, #tpu.memory_space<vmem>>) dst(%dma_wait3A_365 : memref<128x128xf32, #tpu.memory_space<hbm>>)
    %dma_wait3A_370 = arith.constant 0 : i32
    %dma_wait3A_371 = arith.constant 0 : i32
    %dma_wait3A_372 = arith.constant 0 : i32
    %dma_wait3A_373 = tpu.memref_slice %arg11[%dma_wait3A_370, %dma_wait3A_371, %dma_wait3A_372] : memref<2x128x128xf32, #tpu.memory_space<vmem>> -> memref<1x128x128xf32, #tpu.memory_space<vmem>>
    %dma_wait3A_374 = tpu.memref_squeeze %dma_wait3A_373 : memref<1x128x128xf32, #tpu.memory_space<vmem>> -> memref<128x128xf32, #tpu.memory_space<vmem>>
    %dma_wait3A_375 = arith.constant 0 : i32
    %dma_wait3A_376 = tpu.memref_slice %arg7[%add3A_228, %dma_wait3A_375] : memref<16384x128xf32, #tpu.memory_space<hbm>> -> memref<128x128xf32, #tpu.memory_space<hbm>>
    %dma_wait3A_377 = arith.constant 0 : i32
    %dma_wait3A_378 = tpu.memref_slice %arg7[%add3A_228, %dma_wait3A_377] : memref<16384x128xf32, #tpu.memory_space<hbm>> -> memref<128x128xf32, #tpu.memory_space<hbm>>
    %dma_wait3A_379 = arith.constant 0 : i32
    %dma_wait3A_380 = arith.constant 0 : i32
    %dma_wait3A_381 = tpu.memref_slice %arg11[%dma_wait3A_370, %dma_wait3A_379, %dma_wait3A_380] : memref<2x128x128xf32, #tpu.memory_space<vmem>> -> memref<1x128x128xf32, #tpu.memory_space<vmem>>
    %dma_wait3A_382 = tpu.memref_squeeze %dma_wait3A_381 : memref<1x128x128xf32, #tpu.memory_space<vmem>> -> memref<128x128xf32, #tpu.memory_space<vmem>>
    tpu.wait_dma2 semaphore(%arg13 : memref<!tpu.dma_semaphore, #tpu.memory_space<semaphore_mem>>) src(%dma_wait3A_382 : memref<128x128xf32, #tpu.memory_space<vmem>>) dst(%dma_wait3A_378 : memref<128x128xf32, #tpu.memory_space<hbm>>)
    %dma_wait3A_383 = arith.constant 1 : i32
    %dma_wait3A_384 = arith.constant 0 : i32
    %dma_wait3A_385 = arith.constant 0 : i32
    %dma_wait3A_386 = tpu.memref_slice %arg10[%dma_wait3A_383, %dma_wait3A_384, %dma_wait3A_385] : memref<2x128x128xf32, #tpu.memory_space<vmem>> -> memref<1x128x128xf32, #tpu.memory_space<vmem>>
    %dma_wait3A_387 = tpu.memref_squeeze %dma_wait3A_386 : memref<1x128x128xf32, #tpu.memory_space<vmem>> -> memref<128x128xf32, #tpu.memory_space<vmem>>
    %dma_wait3A_388 = arith.constant 0 : i32
    %dma_wait3A_389 = tpu.memref_slice %arg6[%add3A_330, %dma_wait3A_388] : memref<16384x128xf32, #tpu.memory_space<hbm>> -> memref<128x128xf32, #tpu.memory_space<hbm>>
    %dma_wait3A_390 = arith.constant 0 : i32
    %dma_wait3A_391 = tpu.memref_slice %arg6[%add3A_330, %dma_wait3A_390] : memref<16384x128xf32, #tpu.memory_space<hbm>> -> memref<128x128xf32, #tpu.memory_space<hbm>>
    %dma_wait3A_392 = arith.constant 0 : i32
    %dma_wait3A_393 = arith.constant 0 : i32
    %dma_wait3A_394 = tpu.memref_slice %arg10[%dma_wait3A_383, %dma_wait3A_392, %dma_wait3A_393] : memref<2x128x128xf32, #tpu.memory_space<vmem>> -> memref<1x128x128xf32, #tpu.memory_space<vmem>>
    %dma_wait3A_395 = tpu.memref_squeeze %dma_wait3A_394 : memref<1x128x128xf32, #tpu.memory_space<vmem>> -> memref<128x128xf32, #tpu.memory_space<vmem>>
    tpu.wait_dma2 semaphore(%arg13 : memref<!tpu.dma_semaphore, #tpu.memory_space<semaphore_mem>>) src(%dma_wait3A_395 : memref<128x128xf32, #tpu.memory_space<vmem>>) dst(%dma_wait3A_391 : memref<128x128xf32, #tpu.memory_space<hbm>>)
    %dma_wait3A_396 = arith.constant 1 : i32
    %dma_wait3A_397 = arith.constant 0 : i32
    %dma_wait3A_398 = arith.constant 0 : i32
    %dma_wait3A_399 = tpu.memref_slice %arg11[%dma_wait3A_396, %dma_wait3A_397, %dma_wait3A_398] : memref<2x128x128xf32, #tpu.memory_space<vmem>> -> memref<1x128x128xf32, #tpu.memory_space<vmem>>
    %dma_wait3A_400 = tpu.memref_squeeze %dma_wait3A_399 : memref<1x128x128xf32, #tpu.memory_space<vmem>> -> memref<128x128xf32, #tpu.memory_space<vmem>>
    %dma_wait3A_401 = arith.constant 0 : i32
    %dma_wait3A_402 = tpu.memref_slice %arg7[%add3A_330, %dma_wait3A_401] : memref<16384x128xf32, #tpu.memory_space<hbm>> -> memref<128x128xf32, #tpu.memory_space<hbm>>
    %dma_wait3A_403 = arith.constant 0 : i32
    %dma_wait3A_404 = tpu.memref_slice %arg7[%add3A_330, %dma_wait3A_403] : memref<16384x128xf32, #tpu.memory_space<hbm>> -> memref<128x128xf32, #tpu.memory_space<hbm>>
    %dma_wait3A_405 = arith.constant 0 : i32
    %dma_wait3A_406 = arith.constant 0 : i32
    %dma_wait3A_407 = tpu.memref_slice %arg11[%dma_wait3A_396, %dma_wait3A_405, %dma_wait3A_406] : memref<2x128x128xf32, #tpu.memory_space<vmem>> -> memref<1x128x128xf32, #tpu.memory_space<vmem>>
    %dma_wait3A_408 = tpu.memref_squeeze %dma_wait3A_407 : memref<1x128x128xf32, #tpu.memory_space<vmem>> -> memref<128x128xf32, #tpu.memory_space<vmem>>
    tpu.wait_dma2 semaphore(%arg13 : memref<!tpu.dma_semaphore, #tpu.memory_space<semaphore_mem>>) src(%dma_wait3A_408 : memref<128x128xf32, #tpu.memory_space<vmem>>) dst(%dma_wait3A_404 : memref<128x128xf32, #tpu.memory_space<hbm>>)
    return
  }
}

module attributes {stable_mosaic.version = 14 : i64} {
  func.func @_relayout_body(%arg0: i32, %arg1: memref<32x65536xf32, #tpu.memory_space<vmem>>, %arg2: memref<16384x128xf32, #tpu.memory_space<vmem>>) attributes {dimension_semantics = [#tpu.dimension_semantics<arbitrary>], iteration_bounds = array<i64: 2>, scalar_prefetch = 0 : i64, scratch_operands = 0 : i64, tpu.core_type = #tpu.core_type<tc>, window_params = [{transform_indices = @transform_0, window_bounds = array<i64: 32, 65536>}, {transform_indices = @transform_1, window_bounds = array<i64: 16384, 128>}]} {
    %get3A = arith.constant 0 : index
    %get3A_0 = arith.constant 0 : index
    %get3A_1 = vector.load %arg1[%get3A, %get3A_0] : memref<32x65536xf32, #tpu.memory_space<vmem>>, vector<32x65536xf32>
    %mul3A = arith.constant 65536 : i32
    %mul3A_2 = arith.muli %arg0, %mul3A : i32
    %sub3A = arith.constant 100000 : i32
    %sub3A_3 = arith.subi %sub3A, %mul3A_2 : i32
    %iota3A = tpu.iota {dimensions = array<i32: 1>} : vector<32x65536xi32>
    %lt3A = vector.broadcast %sub3A_3 : i32 to vector<32x65536xi32>
    %lt3A_4 = arith.cmpi slt, %iota3A, %lt3A : vector<32x65536xi32>
    %jit3A = arith.constant 0.000000e+00 : f32
    %broadcast_in_dim3A = vector.broadcast %jit3A : f32 to vector<32x65536xf32>
    %select_n3A = arith.select %lt3A_4, %get3A_1, %broadcast_in_dim3A : vector<32x65536xi1>, vector<32x65536xf32>
    %slice3A = vector.extract_strided_slice %select_n3A {offsets = [0, 0], sizes = [32, 16384], strides = [1, 1]} : vector<32x65536xf32> to vector<32x16384xf32>
    %slice3A_5 = vector.extract_strided_slice %select_n3A {offsets = [0, 16384], sizes = [32, 16384], strides = [1, 1]} : vector<32x65536xf32> to vector<32x16384xf32>
    %slice3A_6 = vector.extract_strided_slice %select_n3A {offsets = [0, 32768], sizes = [32, 16384], strides = [1, 1]} : vector<32x65536xf32> to vector<32x16384xf32>
    %slice3A_7 = vector.extract_strided_slice %select_n3A {offsets = [0, 49152], sizes = [32, 16384], strides = [1, 1]} : vector<32x65536xf32> to vector<32x16384xf32>
    %concatenate3A = tpu.concatenate %slice3A, %slice3A_5, %slice3A_6, %slice3A_7 in 0 : vector<32x16384xf32>, vector<32x16384xf32>, vector<32x16384xf32>, vector<32x16384xf32> -> vector<128x16384xf32>
    %iota3A_8 = tpu.iota {dimensions = array<i32: 0>} : vector<128x128xi32>
    %iota3A_9 = tpu.iota {dimensions = array<i32: 1>} : vector<128x128xi32>
    %eq3A = arith.cmpi eq, %iota3A_8, %iota3A_9 : vector<128x128xi32>
    %convert_element_type3A = arith.extui %eq3A : vector<128x128xi1> to vector<128x128xi32>
    %convert_element_type3A_10 = arith.sitofp %convert_element_type3A : vector<128x128xi32> to vector<128x128xf32>
    %convert_element_type3A_11 = arith.truncf %concatenate3A : vector<128x16384xf32> to vector<128x16384xbf16>
    %convert_element_type3A_12 = arith.extf %convert_element_type3A_11 : vector<128x16384xbf16> to vector<128x16384xf32>
    %sub3A_13 = arith.subf %concatenate3A, %convert_element_type3A_12 : vector<128x16384xf32>
    %convert_element_type3A_14 = arith.truncf %sub3A_13 : vector<128x16384xf32> to vector<128x16384xbf16>
    %convert_element_type3A_15 = arith.truncf %convert_element_type3A_10 : vector<128x128xf32> to vector<128x128xbf16>
    %dot_general3A = arith.constant dense<0.000000e+00> : vector<16384x128xf32>
    %dot_general3A_16 = tpu.matmul %convert_element_type3A_11, %convert_element_type3A_15, %dot_general3A {dimension_numbers = #tpu.dot_dimension_numbers<[0], [0], [1], [1], [0, 1, 1, 1], [], []>, transpose_lhs_hint = false} : vector<128x16384xbf16>, vector<128x128xbf16>, vector<16384x128xf32> -> vector<16384x128xf32>
    %convert_element_type3A_17 = arith.truncf %convert_element_type3A_10 : vector<128x128xf32> to vector<128x128xbf16>
    %dot_general3A_18 = arith.constant dense<0.000000e+00> : vector<16384x128xf32>
    %dot_general3A_19 = tpu.matmul %convert_element_type3A_14, %convert_element_type3A_17, %dot_general3A_18 {dimension_numbers = #tpu.dot_dimension_numbers<[0], [0], [1], [1], [0, 1, 1, 1], [], []>, transpose_lhs_hint = false} : vector<128x16384xbf16>, vector<128x128xbf16>, vector<16384x128xf32> -> vector<16384x128xf32>
    %add3A = arith.addf %dot_general3A_16, %dot_general3A_19 : vector<16384x128xf32>
    %swap3A = arith.constant 0 : index
    %swap3A_20 = arith.constant 0 : index
    %swap3A_21 = vector.load %arg2[%swap3A, %swap3A_20] : memref<16384x128xf32, #tpu.memory_space<vmem>>, vector<16384x128xf32>
    tpu.vector_store %arg2[%swap3A, %swap3A_20], %add3A {strides = array<i32>} : memref<16384x128xf32, #tpu.memory_space<vmem>>, vector<16384x128xf32>,
    return
  }
  func.func @transform_0(%arg0: i32) -> (i32, i32) {
    %c0_i32 = arith.constant 0 : i32
    %c0_i32_0 = arith.constant 0 : i32
    return %c0_i32, %arg0 : i32, i32
  }
  func.func @transform_1(%arg0: i32) -> (i32, i32) {
    %c0_i32 = arith.constant 0 : i32
    %c0_i32_0 = arith.constant 0 : i32
    return %arg0, %c0_i32 : i32, i32
  }
}

module attributes {stable_mosaic.version = 14 : i64} {
  func.func @_relayout_body(%arg0: i32, %arg1: memref<32x65536xf32, #tpu.memory_space<vmem>>, %arg2: memref<16384x128xf32, #tpu.memory_space<vmem>>) attributes {dimension_semantics = [#tpu.dimension_semantics<arbitrary>], iteration_bounds = array<i64: 16>, scalar_prefetch = 0 : i64, scratch_operands = 0 : i64, tpu.core_type = #tpu.core_type<tc>, window_params = [{transform_indices = @transform_0, window_bounds = array<i64: 32, 65536>}, {transform_indices = @transform_1, window_bounds = array<i64: 16384, 128>}]} {
    %get3A = arith.constant 0 : index
    %get3A_0 = arith.constant 0 : index
    %get3A_1 = vector.load %arg1[%get3A, %get3A_0] : memref<32x65536xf32, #tpu.memory_space<vmem>>, vector<32x65536xf32>
    %mul3A = arith.constant 65536 : i32
    %mul3A_2 = arith.muli %arg0, %mul3A : i32
    %sub3A = arith.constant 1000000 : i32
    %sub3A_3 = arith.subi %sub3A, %mul3A_2 : i32
    %iota3A = tpu.iota {dimensions = array<i32: 1>} : vector<32x65536xi32>
    %lt3A = vector.broadcast %sub3A_3 : i32 to vector<32x65536xi32>
    %lt3A_4 = arith.cmpi slt, %iota3A, %lt3A : vector<32x65536xi32>
    %jit3A = arith.constant 0.000000e+00 : f32
    %broadcast_in_dim3A = vector.broadcast %jit3A : f32 to vector<32x65536xf32>
    %select_n3A = arith.select %lt3A_4, %get3A_1, %broadcast_in_dim3A : vector<32x65536xi1>, vector<32x65536xf32>
    %slice3A = vector.extract_strided_slice %select_n3A {offsets = [0, 0], sizes = [32, 16384], strides = [1, 1]} : vector<32x65536xf32> to vector<32x16384xf32>
    %slice3A_5 = vector.extract_strided_slice %select_n3A {offsets = [0, 16384], sizes = [32, 16384], strides = [1, 1]} : vector<32x65536xf32> to vector<32x16384xf32>
    %slice3A_6 = vector.extract_strided_slice %select_n3A {offsets = [0, 32768], sizes = [32, 16384], strides = [1, 1]} : vector<32x65536xf32> to vector<32x16384xf32>
    %slice3A_7 = vector.extract_strided_slice %select_n3A {offsets = [0, 49152], sizes = [32, 16384], strides = [1, 1]} : vector<32x65536xf32> to vector<32x16384xf32>
    %concatenate3A = tpu.concatenate %slice3A, %slice3A_5, %slice3A_6, %slice3A_7 in 0 : vector<32x16384xf32>, vector<32x16384xf32>, vector<32x16384xf32>, vector<32x16384xf32> -> vector<128x16384xf32>
    %iota3A_8 = tpu.iota {dimensions = array<i32: 0>} : vector<128x128xi32>
    %iota3A_9 = tpu.iota {dimensions = array<i32: 1>} : vector<128x128xi32>
    %eq3A = arith.cmpi eq, %iota3A_8, %iota3A_9 : vector<128x128xi32>
    %convert_element_type3A = arith.extui %eq3A : vector<128x128xi1> to vector<128x128xi32>
    %convert_element_type3A_10 = arith.sitofp %convert_element_type3A : vector<128x128xi32> to vector<128x128xf32>
    %convert_element_type3A_11 = arith.truncf %concatenate3A : vector<128x16384xf32> to vector<128x16384xbf16>
    %convert_element_type3A_12 = arith.extf %convert_element_type3A_11 : vector<128x16384xbf16> to vector<128x16384xf32>
    %sub3A_13 = arith.subf %concatenate3A, %convert_element_type3A_12 : vector<128x16384xf32>
    %convert_element_type3A_14 = arith.truncf %sub3A_13 : vector<128x16384xf32> to vector<128x16384xbf16>
    %convert_element_type3A_15 = arith.truncf %convert_element_type3A_10 : vector<128x128xf32> to vector<128x128xbf16>
    %dot_general3A = arith.constant dense<0.000000e+00> : vector<16384x128xf32>
    %dot_general3A_16 = tpu.matmul %convert_element_type3A_11, %convert_element_type3A_15, %dot_general3A {dimension_numbers = #tpu.dot_dimension_numbers<[0], [0], [1], [1], [0, 1, 1, 1], [], []>, transpose_lhs_hint = false} : vector<128x16384xbf16>, vector<128x128xbf16>, vector<16384x128xf32> -> vector<16384x128xf32>
    %convert_element_type3A_17 = arith.truncf %convert_element_type3A_10 : vector<128x128xf32> to vector<128x128xbf16>
    %dot_general3A_18 = arith.constant dense<0.000000e+00> : vector<16384x128xf32>
    %dot_general3A_19 = tpu.matmul %convert_element_type3A_14, %convert_element_type3A_17, %dot_general3A_18 {dimension_numbers = #tpu.dot_dimension_numbers<[0], [0], [1], [1], [0, 1, 1, 1], [], []>, transpose_lhs_hint = false} : vector<128x16384xbf16>, vector<128x128xbf16>, vector<16384x128xf32> -> vector<16384x128xf32>
    %add3A = arith.addf %dot_general3A_16, %dot_general3A_19 : vector<16384x128xf32>
    %swap3A = arith.constant 0 : index
    %swap3A_20 = arith.constant 0 : index
    %swap3A_21 = vector.load %arg2[%swap3A, %swap3A_20] : memref<16384x128xf32, #tpu.memory_space<vmem>>, vector<16384x128xf32>
    tpu.vector_store %arg2[%swap3A, %swap3A_20], %add3A {strides = array<i32>} : memref<16384x128xf32, #tpu.memory_space<vmem>>, vector<16384x128xf32>,
    return
  }
  func.func @transform_0(%arg0: i32) -> (i32, i32) {
    %c0_i32 = arith.constant 0 : i32
    %c0_i32_0 = arith.constant 0 : i32
    return %c0_i32, %arg0 : i32, i32
  }
  func.func @transform_1(%arg0: i32) -> (i32, i32) {
    %c0_i32 = arith.constant 0 : i32
    %c0_i32_0 = arith.constant 0 : i32
    return %arg0, %c0_i32 : i32, i32
  }
}

module attributes {stable_mosaic.version = 14 : i64} {
  func.func @_mlp_body(%arg0: i32, %arg1: memref<2048x128xf32, #tpu.memory_space<vmem>>, %arg2: memref<2048x128xf32, #tpu.memory_space<vmem>>, %arg3: memref<2048x1xi8, #tpu.memory_space<vmem>>, %arg4: memref<2048x1xi8, #tpu.memory_space<vmem>>, %arg5: memref<128x128xf32, #tpu.memory_space<vmem>>, %arg6: memref<128x128xf32, #tpu.memory_space<vmem>>, %arg7: memref<1x128xf32, #tpu.memory_space<vmem>>, %arg8: memref<128x64xf32, #tpu.memory_space<vmem>>, %arg9: memref<1x64xf32, #tpu.memory_space<vmem>>, %arg10: memref<64x1xf32, #tpu.memory_space<vmem>>, %arg11: memref<1x1xf32, #tpu.memory_space<vmem>>, %arg12: memref<2048x1xf32, #tpu.memory_space<vmem>>) attributes {dimension_semantics = [#tpu.dimension_semantics<arbitrary>], iteration_bounds = array<i64: 8>, scalar_prefetch = 0 : i64, scratch_operands = 0 : i64, tpu.core_type = #tpu.core_type<tc>, window_params = [{transform_indices = @transform_0, window_bounds = array<i64: 2048, 128>}, {transform_indices = @transform_1, window_bounds = array<i64: 2048, 128>}, {transform_indices = @transform_2, window_bounds = array<i64: 2048, 1>}, {transform_indices = @transform_3, window_bounds = array<i64: 2048, 1>}, {pipeline_mode = #tpu.pipeline_mode<synchronous>, transform_indices = @transform_4, window_bounds = array<i64: 128, 128>}, {pipeline_mode = #tpu.pipeline_mode<synchronous>, transform_indices = @transform_5, window_bounds = array<i64: 128, 128>}, {pipeline_mode = #tpu.pipeline_mode<synchronous>, transform_indices = @transform_6, window_bounds = array<i64: 1, 128>}, {pipeline_mode = #tpu.pipeline_mode<synchronous>, transform_indices = @transform_7, window_bounds = array<i64: 128, 64>}, {pipeline_mode = #tpu.pipeline_mode<synchronous>, transform_indices = @transform_8, window_bounds = array<i64: 1, 64>}, {pipeline_mode = #tpu.pipeline_mode<synchronous>, transform_indices = @transform_9, window_bounds = array<i64: 64, 1>}, {pipeline_mode = #tpu.pipeline_mode<synchronous>, transform_indices = @transform_10, window_bounds = array<i64: 1, 1>}, {transform_indices = @transform_11, window_bounds = array<i64: 2048, 1>}]} {
    %get3A = arith.constant 0 : index
    %get3A_0 = arith.constant 0 : index
    %get3A_1 = vector.load %arg1[%get3A, %get3A_0] : memref<2048x128xf32, #tpu.memory_space<vmem>>, vector<2048x128xf32>
    %iota3A = tpu.iota {dimensions = array<i32: 1>} : vector<2048x128xi32>
    %shift_right_arithmetic3A = arith.constant 5 : i32
    %shift_right_arithmetic3A_2 = vector.broadcast %shift_right_arithmetic3A : i32 to vector<2048x128xi32>
    %shift_right_arithmetic3A_3 = arith.shrsi %iota3A, %shift_right_arithmetic3A_2 : vector<2048x128xi32>
    %get3A_4 = arith.constant 0 : index
    %get3A_5 = arith.constant 0 : index
    %get3A_6 = vector.load %arg3[%get3A_4, %get3A_5] : memref<2048x1xi8, #tpu.memory_space<vmem>>, vector<2048x1xi8>
    %convert_element_type3A = arith.extsi %get3A_6 : vector<2048x1xi8> to vector<2048x1xi32>
    %eq3A = vector.broadcast %convert_element_type3A : vector<2048x1xi32> to vector<2048x128xi32>
    %eq3A_7 = arith.cmpi eq, %shift_right_arithmetic3A_3, %eq3A : vector<2048x128xi32>
    %jit3A = arith.constant 0.000000e+00 : f32
    %broadcast_in_dim3A = vector.broadcast %jit3A : f32 to vector<2048x128xf32>
    %select_n3A = arith.select %eq3A_7, %get3A_1, %broadcast_in_dim3A : vector<2048x128xi1>, vector<2048x128xf32>
    %get3A_8 = arith.constant 0 : index
    %get3A_9 = arith.constant 0 : index
    %get3A_10 = vector.load %arg4[%get3A_8, %get3A_9] : memref<2048x1xi8, #tpu.memory_space<vmem>>, vector<2048x1xi8>
    %convert_element_type3A_11 = arith.extsi %get3A_10 : vector<2048x1xi8> to vector<2048x1xi32>
    %eq3A_12 = vector.broadcast %convert_element_type3A_11 : vector<2048x1xi32> to vector<2048x128xi32>
    %eq3A_13 = arith.cmpi eq, %shift_right_arithmetic3A_3, %eq3A_12 : vector<2048x128xi32>
    %get3A_14 = arith.constant 0 : index
    %get3A_15 = arith.constant 0 : index
    %get3A_16 = vector.load %arg2[%get3A_14, %get3A_15] : memref<2048x128xf32, #tpu.memory_space<vmem>>, vector<2048x128xf32>
    %jit3A_17 = arith.constant 0.000000e+00 : f32
    %broadcast_in_dim3A_18 = vector.broadcast %jit3A_17 : f32 to vector<2048x128xf32>
    %select_n3A_19 = arith.select %eq3A_13, %get3A_16, %broadcast_in_dim3A_18 : vector<2048x128xi1>, vector<2048x128xf32>
    %get3A_20 = arith.constant 0 : index
    %get3A_21 = arith.constant 0 : index
    %get3A_22 = vector.load %arg5[%get3A_20, %get3A_21] : memref<128x128xf32, #tpu.memory_space<vmem>>, vector<128x128xf32>
    %dot_general3A = arith.constant dense<0.000000e+00> : vector<2048x128xf32>
    %dot_general3A_23 = tpu.matmul %select_n3A, %get3A_22, %dot_general3A {dimension_numbers = #tpu.dot_dimension_numbers<[1], [0], [0], [1], [0, 0, 1, 1], [], []>, transpose_lhs_hint = false} : vector<2048x128xf32>, vector<128x128xf32>, vector<2048x128xf32> -> vector<2048x128xf32>
    %get3A_24 = arith.constant 0 : index
    %get3A_25 = arith.constant 0 : index
    %get3A_26 = vector.load %arg6[%get3A_24, %get3A_25] : memref<128x128xf32, #tpu.memory_space<vmem>>, vector<128x128xf32>
    %dot_general3A_27 = arith.constant dense<0.000000e+00> : vector<2048x128xf32>
    %dot_general3A_28 = tpu.matmul %select_n3A_19, %get3A_26, %dot_general3A_27 {dimension_numbers = #tpu.dot_dimension_numbers<[1], [0], [0], [1], [0, 0, 1, 1], [], []>, transpose_lhs_hint = false} : vector<2048x128xf32>, vector<128x128xf32>, vector<2048x128xf32> -> vector<2048x128xf32>
    %add3A = arith.addf %dot_general3A_23, %dot_general3A_28 : vector<2048x128xf32>
    %get3A_29 = arith.constant 0 : index
    %get3A_30 = arith.constant 0 : index
    %get3A_31 = vector.load %arg7[%get3A_29, %get3A_30] : memref<1x128xf32, #tpu.memory_space<vmem>>, vector<1x128xf32>
    %add3A_32 = vector.broadcast %get3A_31 : vector<1x128xf32> to vector<2048x128xf32>
    %add3A_33 = arith.addf %add3A, %add3A_32 : vector<2048x128xf32>
    %max3A = arith.constant 0.000000e+00 : f32
    %max3A_34 = vector.broadcast %max3A : f32 to vector<2048x128xf32>
    %max3A_35 = arith.maximumf %add3A_33, %max3A_34 : vector<2048x128xf32>
    %get3A_36 = arith.constant 0 : index
    %get3A_37 = arith.constant 0 : index
    %get3A_38 = vector.load %arg8[%get3A_36, %get3A_37] : memref<128x64xf32, #tpu.memory_space<vmem>>, vector<128x64xf32>
    %dot_general3A_39 = arith.constant dense<0.000000e+00> : vector<2048x64xf32>
    %dot_general3A_40 = tpu.matmul %max3A_35, %get3A_38, %dot_general3A_39 {dimension_numbers = #tpu.dot_dimension_numbers<[1], [0], [0], [1], [0, 0, 1, 1], [], []>, transpose_lhs_hint = false} : vector<2048x128xf32>, vector<128x64xf32>, vector<2048x64xf32> -> vector<2048x64xf32>
    %get3A_41 = arith.constant 0 : index
    %get3A_42 = arith.constant 0 : index
    %get3A_43 = vector.load %arg9[%get3A_41, %get3A_42] : memref<1x64xf32, #tpu.memory_space<vmem>>, vector<1x64xf32>
    %add3A_44 = vector.broadcast %get3A_43 : vector<1x64xf32> to vector<2048x64xf32>
    %add3A_45 = arith.addf %dot_general3A_40, %add3A_44 : vector<2048x64xf32>
    %max3A_46 = arith.constant 0.000000e+00 : f32
    %max3A_47 = vector.broadcast %max3A_46 : f32 to vector<2048x64xf32>
    %max3A_48 = arith.maximumf %add3A_45, %max3A_47 : vector<2048x64xf32>
    %get3A_49 = arith.constant 0 : index
    %get3A_50 = arith.constant 0 : index
    %get3A_51 = vector.load %arg10[%get3A_49, %get3A_50] : memref<64x1xf32, #tpu.memory_space<vmem>>, vector<64x1xf32>
    %dot_general3A_52 = arith.constant dense<0.000000e+00> : vector<2048x1xf32>
    %dot_general3A_53 = tpu.matmul %max3A_48, %get3A_51, %dot_general3A_52 {dimension_numbers = #tpu.dot_dimension_numbers<[1], [0], [0], [1], [0, 0, 1, 1], [], []>, transpose_lhs_hint = false} : vector<2048x64xf32>, vector<64x1xf32>, vector<2048x1xf32> -> vector<2048x1xf32>
    %get3A_54 = arith.constant 0 : index
    %get3A_55 = arith.constant 0 : index
    %get3A_56 = vector.load %arg11[%get3A_54, %get3A_55] : memref<1x1xf32, #tpu.memory_space<vmem>>, vector<1x1xf32>
    %add3A_57 = vector.broadcast %get3A_56 : vector<1x1xf32> to vector<2048x1xf32>
    %add3A_58 = arith.addf %dot_general3A_53, %add3A_57 : vector<2048x1xf32>
    %logistic3A = arith.negf %add3A_58 : vector<2048x1xf32>
    %logistic3A_59 = math.exp %logistic3A : vector<2048x1xf32>
    %logistic3A_60 = arith.constant 1.000000e+00 : f32
    %logistic3A_61 = vector.broadcast %logistic3A_60 : f32 to vector<2048x1xf32>
    %logistic3A_62 = arith.addf %logistic3A_61, %logistic3A_59 : vector<2048x1xf32>
    %logistic3A_63 = arith.divf %logistic3A_61, %logistic3A_62 : vector<2048x1xf32>
    %swap3A = arith.constant 0 : index
    %swap3A_64 = arith.constant 0 : index
    %swap3A_65 = vector.load %arg12[%swap3A, %swap3A_64] : memref<2048x1xf32, #tpu.memory_space<vmem>>, vector<2048x1xf32>
    tpu.vector_store %arg12[%swap3A, %swap3A_64], %logistic3A_63 {strides = array<i32>} : memref<2048x1xf32, #tpu.memory_space<vmem>>, vector<2048x1xf32>,
    return
  }
  func.func @transform_0(%arg0: i32) -> (i32, i32) {
    %c0_i32 = arith.constant 0 : i32
    %c0_i32_0 = arith.constant 0 : i32
    return %arg0, %c0_i32 : i32, i32
  }
  func.func @transform_1(%arg0: i32) -> (i32, i32) {
    %c0_i32 = arith.constant 0 : i32
    %c0_i32_0 = arith.constant 0 : i32
    return %arg0, %c0_i32 : i32, i32
  }
  func.func @transform_2(%arg0: i32) -> (i32, i32) {
    %c0_i32 = arith.constant 0 : i32
    %c0_i32_0 = arith.constant 0 : i32
    return %arg0, %c0_i32 : i32, i32
  }
  func.func @transform_3(%arg0: i32) -> (i32, i32) {
    %c0_i32 = arith.constant 0 : i32
    %c0_i32_0 = arith.constant 0 : i32
    return %arg0, %c0_i32 : i32, i32
  }
  func.func @transform_4(%arg0: i32) -> (i32, i32) {
    %c0_i32 = arith.constant 0 : i32
    %c0_i32_0 = arith.constant 0 : i32
    %c0_i32_1 = arith.constant 0 : i32
    return %c0_i32, %c0_i32_0 : i32, i32
  }
  func.func @transform_5(%arg0: i32) -> (i32, i32) {
    %c0_i32 = arith.constant 0 : i32
    %c0_i32_0 = arith.constant 0 : i32
    %c0_i32_1 = arith.constant 0 : i32
    return %c0_i32, %c0_i32_0 : i32, i32
  }
  func.func @transform_6(%arg0: i32) -> (i32, i32) {
    %c0_i32 = arith.constant 0 : i32
    %c0_i32_0 = arith.constant 0 : i32
    %c0_i32_1 = arith.constant 0 : i32
    return %c0_i32, %c0_i32_0 : i32, i32
  }
  func.func @transform_7(%arg0: i32) -> (i32, i32) {
    %c0_i32 = arith.constant 0 : i32
    %c0_i32_0 = arith.constant 0 : i32
    %c0_i32_1 = arith.constant 0 : i32
    return %c0_i32, %c0_i32_0 : i32, i32
  }
  func.func @transform_8(%arg0: i32) -> (i32, i32) {
    %c0_i32 = arith.constant 0 : i32
    %c0_i32_0 = arith.constant 0 : i32
    %c0_i32_1 = arith.constant 0 : i32
    return %c0_i32, %c0_i32_0 : i32, i32
  }
  func.func @transform_9(%arg0: i32) -> (i32, i32) {
    %c0_i32 = arith.constant 0 : i32
    %c0_i32_0 = arith.constant 0 : i32
    %c0_i32_1 = arith.constant 0 : i32
    return %c0_i32, %c0_i32_0 : i32, i32
  }
  func.func @transform_10(%arg0: i32) -> (i32, i32) {
    %c0_i32 = arith.constant 0 : i32
    %c0_i32_0 = arith.constant 0 : i32
    %c0_i32_1 = arith.constant 0 : i32
    return %c0_i32, %c0_i32_0 : i32, i32
  }
  func.func @transform_11(%arg0: i32) -> (i32, i32) {
    %c0_i32 = arith.constant 0 : i32
    %c0_i32_0 = arith.constant 0 : i32
    return %arg0, %c0_i32 : i32, i32
  }
}

</mosaic_0001>

<sc_bundles>
// kernel: kernel.6.cloned.1.call-start
scs
__scs_entry_jumppad:
0x0: {  	(pc) =	sbr.rel $0x88, $3  }
0x1: {  	(tag) =	ssettag $0x0;
	lr =	simm.s32 $0x1  }
0x2: {  	[smem:$0x3F97] =	sst lr;
	_ =	strace $0xD0000000  }
0x3: {  	_ = 	snop  }
0x4: {  	_ = 	snop  }
0x5: {  	_ = 	snop  }
0x6: {  	_ = 	snop  }
0x7: {  	_ = 	snop  }
__scs_overlays_trampoline_lowered:
0x8: {  	[smem:$0x3FA6] =	sst s0  }
0x9: {  	[smem:$0x3FA7] =	sst s1  }
0xa: {  	[smem:$0x3FA8] =	sst s2  }
0xb: {  	[smem:$0x3FA9] =	sst s3  }
0xc: {  	[smem:$0x3FAA] =	sst s4  }
0xd: {  	[smem:$0x3FAB] =	sst s5  }
0xe: {  	[smem:$0x3FAC] =	sst s6  }
0xf: {  	[smem:$0x3FAD] =	sst s7  }
0x10: {  	[smem:$0x3FAE] =	sst s8  }
0x11: {  	[smem:$0x3FAF] =	sst s9;
	s0 =	simm.s32 @!p0 $0x0  }
0x12: {  	s1 =	sld [smem:$0x3F95];
	s0 =	simm.s32 @p0 $0x1  }
0x13: {  	[smem:$0x3FB0] =	sst s0;
	s0 =	simm.s32 @!p1 $0x0  }
0x14: {  	s2 =	sld [smem:$0x3F94];
	s0 =	simm.s32 @p1 $0x1  }
0x15: {  	[smem:$0x3FB1] =	sst s0;
	s0 =	simm.s32 @!p2 $0x0  }
0x16: {  	s3 =	sld [smem:$0x3FDB];
	s0 =	simm.s32 @p2 $0x1  }
0x17: {  	s4 =	simm.s32 $0x1BF5;
	[smem:$0x3FB3] =	sst s0  }
0x18: {  	s0 =	sld [smem:$0x3F96];
	_ =	swait.ge [sflag:s4], $0x0  }
0x19: {  	s7 =	sld [smem:$0x3F97]  }
0x1a: {  	s8 =	sadd.s32 $0xFFFFE003, lr  }
0x1b: {  	s9 =	sadd.s32 $0xFFFFFEF7, lr;
	s5 =	simm.s32 $0xFFFFFFFF;
	p2 =	slt.u32 s8, $0xFFFFF086  }
0x1c: {  	p1 =	slt.u32 s9, $0xF7A;
	s5 =	simm.s32 @!p2 $0x0  }
0x1d: {  	s5 =	simm.s32 @p1 $0x1;
	p0 =	seq.s32 s7, s2  }
0x1e: {  	s7 =	smul.u32 @!p0 $0xF7A, s2;
	p2 =	seq.s32 @!p0 s5, $0x0  }
0x1f: {  	s9 =	smul.u32 $0xF7A, s1;
	s8 =	simm.s32 @!p0 $0x1BF5;
	p2 =	por !p2, p0  }
0x20: {  	[sflag:s8] =	ssyncset.s32 @!p0 $0xFFFFF086;
	s6 =	sadd.s32 @!p0 s3, s7;
	s7 =	simm.s32 @!p0 $0x108  }
0x21: {  	s3 =	sadd.s32 s3, s9;
	s6 =	sadd.s32 @!p0 $0x88, s6;
	s7 =	simm.s32 @p2 $0x1082  }
0x22: {  	[simem:s7], [sflag:s8] =	dma.local @!p0 [hbm:s6], $0xF7A  }
0x23: {  	s9 =	sor.u32 $0xD0000000, s2;
	s6 =	simm.s32 $0x108;
	_ =	swait.ge @!p0 [sflag:s8], $0x0  }
0x24: {  	s3 =	sadd.s32 $0x88, s3;
	s6 =	simm.s32 @!p1 $0x1082;
	[sflag:s4] =	ssyncset.s32 $0xFFFFF086  }
0x25: {  	[simem:s6], [sflag:s4] =	dma.local [hbm:s3], $0xF7A  }
0x26: {  	[smem:$0x3F97] =	sst s1;
	(tag) =	ssettag s2;
	_ =	strace s9  }
0x27: {  	s1 =	sld [smem:$0x3FA7]  }
0x28: {  	s2 =	sld [smem:$0x3FA8]  }
0x29: {  	s4 =	sld [smem:$0x3FAA]  }
0x2a: {  	p0 =	seq.s32 s5, $0x0;
	s5 =	sld [smem:$0x3FAB]  }
0x2b: {  	s6 =	sld [smem:$0x3FAC]  }
0x2c: {  	s7 =	sld [smem:$0x3FAD]  }
0x2d: {  	s3 =	simm.s32 $0x108;
	s8 =	sld [smem:$0x3FAE]  }
0x2e: {  	s3 =	simm.s32 @!p0 $0x1082;
	s9 =	sld [smem:$0x3FAF]  }
0x2f: {  	lr =	sadd.s32 s0, s3;
	s0 =	sld [smem:$0x3FA6]  }
0x30: {  	s3 =	sld [smem:$0x3FA9]  }
0x31: {  	[smem:$0x3FB2] =	sst s10  }
0x32: {  	s10 =	sld [smem:$0x3FB0];
	_ =	sdelay $0x3  }
0x33: {  	p0 =	seq.s32 s10, $0x1;
	s10 =	sld [smem:$0x3FB2];
	_ =	sdelay $0x3  }
0x34: {  	[smem:$0x3FB2] =	sst s10  }
0x35: {  	s10 =	sld [smem:$0x3FB1];
	_ =	sdelay $0x3  }
0x36: {  	p1 =	seq.s32 s10, $0x1;
	s10 =	sld [smem:$0x3FB2];
	_ =	sdelay $0x3  }
0x37: {  	[smem:$0x3FB2] =	sst s10  }
0x38: {  	s10 =	sld [smem:$0x3FB3]  }
0x39: {  	_ = 	snop;
	(pc) =	sbr.ind lr, $3  }
0x3a: {  	_ = 	snop  }
0x3b: {  	_ = 	snop  }
0x3c: {  	p2 =	seq.s32 s10, $0x1;
	s10 =	sld [smem:$0x3FB2]  }
0x3d: {  	_ =	shalt  }
0x3e: {  	_ =	shalt  }
0x3f: {  	_ =	shalt  }
0x40: {  	_ =	shalt  }
0x41: {  	_ =	shalt  }
0x42: {  	_ =	shalt  }
0x43: {  	_ =	shalt  }
0x44: {  	_ =	shalt  }
0x45: {  	_ =	shalt  }
0x46: {  	_ =	shalt  }
0x47: {  	_ =	shalt  }
0x48: {  	_ =	shalt  }
0x49: {  	_ =	shalt  }
0x4a: {  	_ =	shalt  }
0x4b: {  	_ =	shalt  }
0x4c: {  	_ =	shalt  }
0x4d: {  	_ =	shalt  }
0x4e: {  	_ =	shalt  }
0x4f: {  	_ =	shalt  }
0x50: {  	_ =	shalt  }
0x51: {  	_ =	shalt  }
0x52: {  	_ =	shalt  }
0x53: {  	_ =	shalt  }
0x54: {  	_ =	shalt  }
0x55: {  	_ =	shalt  }
0x56: {  	_ =	shalt  }
0x57: {  	_ =	shalt  }
0x58: {  	_ =	shalt  }
0x59: {  	_ =	shalt  }
0x5a: {  	_ =	shalt  }
0x5b: {  	_ =	shalt  }
0x5c: {  	_ =	shalt  }
0x5d: {  	_ =	shalt  }
0x5e: {  	_ =	shalt  }
0x5f: {  	_ =	shalt  }
0x60: {  	_ =	shalt  }
0x61: {  	_ =	shalt  }
0x62: {  	_ =	shalt  }
0x63: {  	_ =	shalt  }
0x64: {  	_ =	shalt  }
0x65: {  	_ =	shalt  }
0x66: {  	_ =	shalt  }
0x67: {  	_ =	shalt  }
0x68: {  	_ =	shalt  }
0x69: {  	_ =	shalt  }
0x6a: {  	_ =	shalt  }
0x6b: {  	_ =	shalt  }
0x6c: {  	_ =	shalt  }
0x6d: {  	_ =	shalt  }
0x6e: {  	_ =	shalt  }
0x6f: {  	_ =	shalt  }
0x70: {  	_ =	shalt  }
0x71: {  	_ =	shalt  }
0x72: {  	_ =	shalt  }
0x73: {  	_ =	shalt  }
0x74: {  	_ =	shalt  }
0x75: {  	_ =	shalt  }
0x76: {  	_ =	shalt  }
0x77: {  	_ =	shalt  }
0x78: {  	_ =	shalt  }
0x79: {  	_ =	shalt  }
0x7a: {  	_ =	shalt  }
0x7b: {  	_ =	shalt  }
0x7c: {  	_ =	shalt  }
0x7d: {  	_ =	shalt  }
0x7e: {  	_ =	shalt  }
0x7f: {  	_ =	shalt  }
0x80: {  	_ =	shalt  }
0x81: {  	_ =	shalt  }
0x82: {  	_ =	shalt  }
0x83: {  	_ =	shalt  }
0x84: {  	_ =	shalt  }
0x85: {  	_ =	shalt  }
0x86: {  	_ =	shalt  }
0x87: {  	_ =	shalt  }
.Lfunc_end0:
.L_simem_size_0:
called_computation_lowered:
.L_overlay_start_0:
0x88: {  	s2 =	sld [smem:$0x3FD9]  }
0x89: {  	s3 =	sld [smem:$0x3FFE];
	_ =	sdelay $0x1  }
0x8a: {  	s1 =	srdreg.scid  }
0x8b: {  	s0 =	sand.u32 $0x1, s1  }
0x8c: {  	s17 =	sshll.u32 s0, $0xA;
	s2 =	sadd.s32 s3, s2  }
0x8d: {  	s2 =	sadd.s32 s2, s17  }
0x8e: {  	[smem:$0x3FBE] =	sst s2  }
0x8f: {  	_ = 	snop  }
0x90: {  	s2 =	sld [smem:$0x3FD0];
	(tm) =	ssettm $0x1  }
0x91: {  	s18 =	sld [smem:$0x3FFB];
	_ =	sdelay $0x3  }
0x92: {  	_ =	strace s18  }
0x93: {  	s3 =	sld [smem:$0x3FFC];
	_ =	sdelay $0x3  }
0x94: {  	_ =	strace s3  }
0x95: {  	s3 =	sld [smem:$0x3FFD];
	_ =	sdelay $0x3  }
0x96: {  	_ =	strace s3  }
0x97: {  	_ =	strace $0x8FFFFFFF  }
0x98: {  	s19 =	sld [smem:$0x3FDB];
	_ =	sdelay $0x1  }
0x99: {  	s4 =	simm.s32 $_scs_section_size  }
0x9a: {  	s5 =	simm.s32 $_size__tile_overlayer_lowered;
	s6 =	simm.s32 $_tile_overlayer_lowered  }
0x9b: {  	s22 =	simm.s32 $0x1BFF;
	s21 =	sshll.u32 s6, $0x1;
	s3 =	sadd.s32 s4, s19  }
0x9c: {  	s7 =	simm.s32 $0x0;
	s20 =	sshll.u32 s5, $0x1;
	s5 =	sadd.s32 s21, s3  }
0x9d: {  	[timem:s7], [sflag:s22] =	dma.local [hbm:s5], s20  }
0x9e: {  	_ =	swait.ge [sflag:s22], s20  }
0x9f: {  	s4 =	ssub.s32 $0x0, s20;
	[sflag:s22] =	ssyncset.done $0x0  }
0xa0: {  	[sflag:s22] =	ssyncadd.s32 s4;
	_ =	sdelay $0x1  }
0xa1: {  	s23 =	simm.s32 $0x1B8B  }
0xa2: {  	_ =	swait.ge [sflag:s23], $0x1  }
0xa3: {  	[sflag:s23] =	ssyncset.done $0x0  }
0xa4: {  	s25 =	simm.s32 $0x1B8E;
	s24 =	sld [smem:$0x3FFE];
	[sflag:s23] =	ssyncadd.s32 $0xFFFFFFFF  }
0xa5: {  	s26 =	simm.s32 $execute0_lowered;
	[smem:$0x3FD2] =	sst s25  }
0xa6: {  	s5 =	sshll.u32 s26, $0x1;
	_ =	strace $0x80000046;
	[dreg:$0x1] =	wrdreg $0xFFFFFFFF  }
0xa7: {  	s28 =	simm.s32 $_size_execute0_lowered;
	s3 =	sadd.s32 s3, s5;
	[dreg:$0x0] =	wrdreg $0x0  }
0xa8: {  	s5 =	sshll.u32 s28, $0x1;
	[dreg:$0x2] =	wrdreg s3  }
0xa9: {  	[dreg:$0x3] =	wrdreg s5  }
0xaa: {  	[dreg:$0x4] =	wrdreg $0xC0  }
0xab: {  	_ =	task [dreg:s7], $0x5FFFF  }
0xac: {  	[dreg:$0x1] =	wrdreg $0xFFFFFFFF  }
0xad: {  	[dreg:$0x0] =	wrdreg $0x60  }
0xae: {  	[dreg:$0x2] =	wrdreg s2  }
0xaf: {  	[dreg:$0x3] =	wrdreg s24  }
0xb0: {  	[dreg:$0x4] =	wrdreg $0x9  }
0xb1: {  	_ =	task.clear_ibuf [dreg:s7], $0x5FFFF;
	_ =	strace $0x90000046  }
0xb2: {  	s29 =	simm.s32 $0x9;
	_ =	strace $0x80000048  }
0xb3: {  	_ =	swait.ge [sflag:s29], $0x1  }
0xb4: {  	[sflag:s29] =	ssyncadd.s32 $0xFFFFFFFF  }
0xb5: {  	_ =	strace $0x90000048  }
0xb6: {  	_ =	sfence  }
0xb7: {  	s30 =	sld [smem:$0x0];
	_ =	sdelay $0x2  }
0xb8: {  	s31 =	sshll.u32 s1, $0xD;
	s1 =	sshrl.u32 s1, $0x2  }
0xb9: {  	s3 =	sand.u32 $0x4000, s31;
	s1 =	sadd.s32 s1, s30  }
0xba: {  	s0 =	sor.u32 s3, s0;
	s1 =	sshll.u32 s1, $0x11  }
0xbb: {  	s0 =	sor.u32 s1, s0  }
0xbc: {  	s0 =	sadd.s32 $0x8F2B, s0  }
0xbd: {  	[sflag:s0] =	ssyncadd.remote.s32 $0x1  }
0xbe: {  	_ =	sfence.sel $0xFFFF  }
0xbf: {  	[dreg:$0x0] =	wrdreg $0xFFFFFFFF;
	(pc) =	sbr.abs _section_cstart, $3  }
0xc0: {  	[dreg:$0x1] =	wrdreg $0xFFFFFFFF  }
0xc1: {  	_ =	task.clear_ibuf [dreg:s7], $0x2FFFF;
	_ =	strace $0x9FFFFFFF  }
0xc2: {  	(tm) =	ssettm $0x7FFFFFFF  }
0xc3: {  	_ =	shalt  }
tec
execute0_lowered:
.L_overlay_start_1:
0x0: {  	(tag) =	ssettag $0x1  }
0x1: {  	s1 =	srdreg.scid  }
0x2: {  	s3 =	rddreg [dreg:$0x0];
	s0 =	stileid.u32;
	s30 =	sand.u32 $0x1, s1  }
0x3: {  	s13 =	rddreg [dreg:$0x1];
	s4 =	sshll.u32 s0, $0xA;
	s5 =	sshll.u32 s30, $0x9  }
0x4: {  	s2 =	simm.s32 $0x0;
	s1 =	rddreg [dreg:$0x2];
	s14 =	sor.u32 s5, s4  }
0x5: {  	[smem:$0x7FF] =	sst s2;
	s5 =	sshrl.u32 s14, $0x3  }
0x6: {  	_ =	strace $0x80000047;
	s4 =	simm.s32 $0x3;
	s3 =	sadd.s32 s3, s5  }
0x7: {  	[tilespmem:s2], [sflag:$0x3] =	stream.linear.gather [hbm4b:s3+s2], $0x200, $0x38;
	[tilespmem:$0x10400] =	vst v63  }
0x8: {  	_ =	swait.ge [sflag:s4], $0x200  }
0x9: {  	s5 =	sadd.s32 s5, s13;
	[sflag:s4] =	ssyncset.done $0x0  }
0xa: {  	s6 =	simm.s32 $0x200;
	s5 =	sadd.s32 $0x2400, s5;
	[sflag:s4] =	ssyncadd.s32 $0xFFFFFE00  }
0xb: {  	[tilespmem:s6], [sflag:$0x3] =	stream.linear.gather [hbm4b:s5+s2], $0x200, $0x38;
	[tilespmem:$0x10400] =	vst v63  }
0xc: {  	_ =	swait.ge [sflag:s4], $0x200  }
0xd: {  	s8 =	simm.s32 $0x80;
	[sflag:s4] =	ssyncset.done $0x0  }
0xe: {  	s9 =	simm.s32 $0x400;
	s7 =	sadd.s32 $0x2C00, s13;
	[sflag:s4] =	ssyncadd.s32 $0xFFFFFE00  }
0xf: {  	[tilespmem:s9], [sflag:$0x1] =	stream.indirect.gather [hbm4b:s7+s8], $0x80, s2, s8, $0xb8;
	[tilespmem:$0x10400] =	vst v63  }
0x10: {  	s11 =	simm.s32 $0x8400;
	s12 =	simm.s32 $0x1;
	s10 =	sadd.s32 $0x402C00, s13  }
0x11: {  	[tilespmem:s11], [sflag:$0x1] =	stream.indirect.gather [hbm4b:s10+s8], $0x80, s6, s8, $0xb8;
	[tilespmem:$0x10400] =	vst v63  }
0x12: {  	_ =	swait.ge [sflag:s12], $0x4000  }
0x13: {  	[sflag:s12] =	ssyncset.done $0x0  }
0x14: {  	[sflag:s12] =	ssyncadd.s32 $0xFFFFC000  }
0x15: {  	_ =	swait.ge [sflag:s12], $0x4000  }
0x16: {  	s28 =	sadd.s32 $0x482C00, s13;
	s31 =	sshll.u32 s14, $0x4;
	[sflag:s12] =	ssyncset.done $0x0  }
0x17: {  	s29 =	sadd.s32 $0x4C2C00, s13;
	s13 =	sadd.s32 s28, s31;
	[sflag:s12] =	ssyncadd.s32 $0xFFFFC000  }
0x18: {  	[hbm4b:s13+s2] =	stream.linear.scatter [tilespmem:s9], [sflag:$0x2], $0x4000, $0x38;
	[tilespmem:$0x10400] =	vst v63  }
0x19: {  	s14 =	sadd.s32 s29, s31  }
0x1a: {  	[hbm4b:s14+s2] =	stream.linear.scatter [tilespmem:s11], [sflag:$0x2], $0x4000, $0x38;
	[tilespmem:$0x10400] =	vst v63  }
0x1b: {  	s15 =	simm.s32 $0x4400  }
0x1c: {  	[tilespmem:s15], [sflag:$0x1] =	stream.indirect.gather [hbm4b:s7+s8], $0x80, s8, s8, $0xb8;
	[tilespmem:$0x10400] =	vst v63  }
0x1d: {  	s16 =	simm.s32 $0x280;
	s17 =	simm.s32 $0xC400  }
0x1e: {  	[tilespmem:s17], [sflag:$0x1] =	stream.indirect.gather [hbm4b:s10+s8], $0x80, s16, s8, $0xb8;
	[tilespmem:$0x10400] =	vst v63  }
0x1f: {  	_ =	swait.ge [sflag:s12], $0x4000  }
0x20: {  	[sflag:s12] =	ssyncset.done $0x0  }
0x21: {  	[sflag:s12] =	ssyncadd.s32 $0xFFFFC000  }
0x22: {  	_ =	swait.ge [sflag:s12], $0x4000  }
0x23: {  	s19 =	sor.u32 $0x800, s31;
	[sflag:s12] =	ssyncset.done $0x0  }
0x24: {  	s18 =	sadd.s32 s28, s19;
	[sflag:s12] =	ssyncadd.s32 $0xFFFFC000  }
0x25: {  	[hbm4b:s18+s2] =	stream.linear.scatter [tilespmem:s15], [sflag:$0x2], $0x4000, $0x38;
	[tilespmem:$0x10400] =	vst v63  }
0x26: {  	s20 =	sadd.s32 s29, s19;
	s19 =	simm.s32 $0x2  }
0x27: {  	[hbm4b:s20+s2] =	stream.linear.scatter [tilespmem:s17], [sflag:$0x2], $0x4000, $0x38;
	[tilespmem:$0x10400] =	vst v63  }
0x28: {  	_ =	swait.ge [sflag:s19], $0x4000  }
0x29: {  	[sflag:s19] =	ssyncset.done $0x0  }
0x2a: {  	[sflag:s19] =	ssyncadd.s32 $0xFFFFC000  }
0x2b: {  	_ =	swait.ge [sflag:s19], $0x4000  }
0x2c: {  	[sflag:s19] =	ssyncset.done $0x0  }
0x2d: {  	s21 =	simm.s32 $0x100;
	[sflag:s19] =	ssyncadd.s32 $0xFFFFC000  }
0x2e: {  	[tilespmem:s9], [sflag:$0x1] =	stream.indirect.gather [hbm4b:s7+s8], $0x80, s21, s8, $0xb8;
	[tilespmem:$0x10400] =	vst v63  }
0x2f: {  	s22 =	simm.s32 $0x300  }
0x30: {  	[tilespmem:s11], [sflag:$0x1] =	stream.indirect.gather [hbm4b:s10+s8], $0x80, s22, s8, $0xb8;
	[tilespmem:$0x10400] =	vst v63  }
0x31: {  	_ =	swait.ge [sflag:s12], $0x4000  }
0x32: {  	[sflag:s12] =	ssyncset.done $0x0  }
0x33: {  	[sflag:s12] =	ssyncadd.s32 $0xFFFFC000  }
0x34: {  	_ =	swait.ge [sflag:s12], $0x4000  }
0x35: {  	s24 =	sor.u32 $0x1000, s31;
	[sflag:s12] =	ssyncset.done $0x0  }
0x36: {  	s23 =	sadd.s32 s28, s24;
	[sflag:s12] =	ssyncadd.s32 $0xFFFFC000  }
0x37: {  	[hbm4b:s23+s2] =	stream.linear.scatter [tilespmem:s9], [sflag:$0x2], $0x4000, $0x38;
	[tilespmem:$0x10400] =	vst v63  }
0x38: {  	s24 =	sadd.s32 s29, s24  }
0x39: {  	[hbm4b:s24+s2] =	stream.linear.scatter [tilespmem:s11], [sflag:$0x2], $0x4000, $0x38;
	[tilespmem:$0x10400] =	vst v63  }
0x3a: {  	_ =	swait.ge [sflag:s19], $0x4000  }
0x3b: {  	[sflag:s19] =	ssyncset.done $0x0  }
0x3c: {  	[sflag:s19] =	ssyncadd.s32 $0xFFFFC000  }
0x3d: {  	_ =	swait.ge [sflag:s19], $0x4000  }
0x3e: {  	[sflag:s19] =	ssyncset.done $0x0  }
0x3f: {  	s25 =	simm.s32 $0x180;
	[sflag:s19] =	ssyncadd.s32 $0xFFFFC000  }
0x40: {  	[tilespmem:s15], [sflag:$0x1] =	stream.indirect.gather [hbm4b:s7+s8], $0x80, s25, s8, $0xb8;
	[tilespmem:$0x10400] =	vst v63  }
0x41: {  	s26 =	simm.s32 $0x380  }
0x42: {  	[tilespmem:s17], [sflag:$0x1] =	stream.indirect.gather [hbm4b:s10+s8], $0x80, s26, s8, $0xb8;
	[tilespmem:$0x10400] =	vst v63  }
0x43: {  	_ =	swait.ge [sflag:s12], $0x4000  }
0x44: {  	[sflag:s12] =	ssyncset.done $0x0  }
0x45: {  	[sflag:s12] =	ssyncadd.s32 $0xFFFFC000  }
0x46: {  	_ =	swait.ge [sflag:s12], $0x4000  }
0x47: {  	s31 =	sor.u32 $0x1800, s31;
	[sflag:s12] =	ssyncset.done $0x0  }
0x48: {  	s28 =	sadd.s32 s28, s31;
	[sflag:s12] =	ssyncadd.s32 $0xFFFFC000  }
0x49: {  	[hbm4b:s28+s2] =	stream.linear.scatter [tilespmem:s15], [sflag:$0x2], $0x4000, $0x38;
	[tilespmem:$0x10400] =	vst v63  }
0x4a: {  	s29 =	sadd.s32 s29, s31  }
0x4b: {  	[hbm4b:s29+s2] =	stream.linear.scatter [tilespmem:s17], [sflag:$0x2], $0x4000, $0x38;
	[tilespmem:$0x10400] =	vst v63  }
0x4c: {  	_ =	swait.ge [sflag:s19], $0x4000  }
0x4d: {  	s30 =	ssub.s32 $0x2, s30;
	[sflag:s19] =	ssyncset.done $0x0  }
0x4e: {  	s31 =	sshrl.u32 s30, $0x1;
	[sflag:s19] =	ssyncadd.s32 $0xFFFFC000  }
0x4f: {  	s30 =	ssub.s32 s30, s31;
	_ =	swait.ge [sflag:s19], $0x4000  }
0x50: {  	s30 =	smax.u32 s30, $0x1;
	[sflag:s19] =	ssyncset.done $0x0  }
0x51: {  	p0 =	sne.s32 s30, $0x1;
	[sflag:s19] =	ssyncadd.s32 $0xFFFFC000  }
.Ltmp0:
0x52: {  	_ =	swait.ge [sflag:s19], $0x4000;
	(pc) =	sbr.rel @!p0 .LBB2_2-.Ltmp0, $4  }
0x53: {  	[sflag:s19] =	ssyncset.done $0x0  }
0x54: {  	[sflag:s19] =	ssyncadd.s32 $0xFFFFC000  }
0x55: {  	_ =	swait.ge [sflag:s19], $0x4000  }
0x56: {  	s30 =	sadd.s32 $0xFFFFFFFF, s30;
	[sflag:s19] =	ssyncset.done $0x0  }
.LBB2_1:
0x57: {  	p0 =	sne.s32 s30, $0x1;
	s30 =	sadd.s32 $0xFFFFFFFF, s30;
	[sflag:s19] =	ssyncadd.s32 $0xFFFFC000  }
0x58: {  	[tilespmem:s2], [sflag:$0x3] =	stream.linear.gather [hbm4b:s3+s2], $0x200, $0x38;
	[tilespmem:$0x10400] =	vst v63  }
0x59: {  	_ =	swait.ge [sflag:s4], $0x200  }
0x5a: {  	[sflag:s4] =	ssyncset.done $0x0  }
0x5b: {  	[sflag:s4] =	ssyncadd.s32 $0xFFFFFE00  }
0x5c: {  	[tilespmem:s6], [sflag:$0x3] =	stream.linear.gather [hbm4b:s5+s2], $0x200, $0x38;
	[tilespmem:$0x10400] =	vst v63  }
0x5d: {  	_ =	swait.ge [sflag:s4], $0x200  }
0x5e: {  	[sflag:s4] =	ssyncset.done $0x0  }
0x5f: {  	[sflag:s4] =	ssyncadd.s32 $0xFFFFFE00  }
0x60: {  	[tilespmem:s9], [sflag:$0x1] =	stream.indirect.gather [hbm4b:s7+s8], $0x80, s2, s8, $0xb8;
	[tilespmem:$0x10400] =	vst v63  }
0x61: {  	_ = 	snop  }
0x62: {  	[tilespmem:s11], [sflag:$0x1] =	stream.indirect.gather [hbm4b:s10+s8], $0x80, s6, s8, $0xb8;
	[tilespmem:$0x10400] =	vst v63  }
0x63: {  	_ =	swait.ge [sflag:s12], $0x4000  }
0x64: {  	[sflag:s12] =	ssyncset.done $0x0  }
0x65: {  	[sflag:s12] =	ssyncadd.s32 $0xFFFFC000  }
0x66: {  	_ =	swait.ge [sflag:s12], $0x4000  }
0x67: {  	[sflag:s12] =	ssyncset.done $0x0  }
0x68: {  	[sflag:s12] =	ssyncadd.s32 $0xFFFFC000  }
0x69: {  	[hbm4b:s13+s2] =	stream.linear.scatter [tilespmem:s9], [sflag:$0x2], $0x4000, $0x38;
	[tilespmem:$0x10400] =	vst v63  }
0x6a: {  	_ = 	snop  }
0x6b: {  	[hbm4b:s14+s2] =	stream.linear.scatter [tilespmem:s11], [sflag:$0x2], $0x4000, $0x38;
	[tilespmem:$0x10400] =	vst v63  }
0x6c: {  	_ = 	snop  }
0x6d: {  	[tilespmem:s15], [sflag:$0x1] =	stream.indirect.gather [hbm4b:s7+s8], $0x80, s8, s8, $0xb8;
	[tilespmem:$0x10400] =	vst v63  }
0x6e: {  	_ = 	snop  }
0x6f: {  	[tilespmem:s17], [sflag:$0x1] =	stream.indirect.gather [hbm4b:s10+s8], $0x80, s16, s8, $0xb8;
	[tilespmem:$0x10400] =	vst v63  }
0x70: {  	_ =	swait.ge [sflag:s12], $0x4000  }
0x71: {  	[sflag:s12] =	ssyncset.done $0x0  }
0x72: {  	[sflag:s12] =	ssyncadd.s32 $0xFFFFC000  }
0x73: {  	_ =	swait.ge [sflag:s12], $0x4000  }
0x74: {  	[sflag:s12] =	ssyncset.done $0x0  }
0x75: {  	[sflag:s12] =	ssyncadd.s32 $0xFFFFC000  }
0x76: {  	[hbm4b:s18+s2] =	stream.linear.scatter [tilespmem:s15], [sflag:$0x2], $0x4000, $0x38;
	[tilespmem:$0x10400] =	vst v63  }
0x77: {  	_ = 	snop  }
0x78: {  	[hbm4b:s20+s2] =	stream.linear.scatter [tilespmem:s17], [sflag:$0x2], $0x4000, $0x38;
	[tilespmem:$0x10400] =	vst v63  }
0x79: {  	_ =	swait.ge [sflag:s19], $0x4000  }
0x7a: {  	[sflag:s19] =	ssyncset.done $0x0  }
0x7b: {  	[sflag:s19] =	ssyncadd.s32 $0xFFFFC000  }
0x7c: {  	_ =	swait.ge [sflag:s19], $0x4000  }
0x7d: {  	[sflag:s19] =	ssyncset.done $0x0  }
0x7e: {  	[sflag:s19] =	ssyncadd.s32 $0xFFFFC000  }
0x7f: {  	[tilespmem:s9], [sflag:$0x1] =	stream.indirect.gather [hbm4b:s7+s8], $0x80, s21, s8, $0xb8;
	[tilespmem:$0x10400] =	vst v63  }
0x80: {  	_ = 	snop  }
0x81: {  	[tilespmem:s11], [sflag:$0x1] =	stream.indirect.gather [hbm4b:s10+s8], $0x80, s22, s8, $0xb8;
	[tilespmem:$0x10400] =	vst v63  }
0x82: {  	_ =	swait.ge [sflag:s12], $0x4000  }
0x83: {  	[sflag:s12] =	ssyncset.done $0x0  }
0x84: {  	[sflag:s12] =	ssyncadd.s32 $0xFFFFC000  }
0x85: {  	_ =	swait.ge [sflag:s12], $0x4000  }
0x86: {  	[sflag:s12] =	ssyncset.done $0x0  }
0x87: {  	[sflag:s12] =	ssyncadd.s32 $0xFFFFC000  }
0x88: {  	[hbm4b:s23+s2] =	stream.linear.scatter [tilespmem:s9], [sflag:$0x2], $0x4000, $0x38;
	[tilespmem:$0x10400] =	vst v63  }
0x89: {  	_ = 	snop  }
0x8a: {  	[hbm4b:s24+s2] =	stream.linear.scatter [tilespmem:s11], [sflag:$0x2], $0x4000, $0x38;
	[tilespmem:$0x10400] =	vst v63  }
0x8b: {  	_ =	swait.ge [sflag:s19], $0x4000  }
0x8c: {  	[sflag:s19] =	ssyncset.done $0x0  }
0x8d: {  	[sflag:s19] =	ssyncadd.s32 $0xFFFFC000  }
0x8e: {  	_ =	swait.ge [sflag:s19], $0x4000  }
0x8f: {  	[sflag:s19] =	ssyncset.done $0x0  }
0x90: {  	[sflag:s19] =	ssyncadd.s32 $0xFFFFC000  }
0x91: {  	[tilespmem:s15], [sflag:$0x1] =	stream.indirect.gather [hbm4b:s7+s8], $0x80, s25, s8, $0xb8;
	[tilespmem:$0x10400] =	vst v63  }
0x92: {  	_ = 	snop  }
0x93: {  	[tilespmem:s17], [sflag:$0x1] =	stream.indirect.gather [hbm4b:s10+s8], $0x80, s26, s8, $0xb8;
	[tilespmem:$0x10400] =	vst v63  }
0x94: {  	_ =	swait.ge [sflag:s12], $0x4000  }
0x95: {  	[sflag:s12] =	ssyncset.done $0x0  }
0x96: {  	[sflag:s12] =	ssyncadd.s32 $0xFFFFC000  }
0x97: {  	_ =	swait.ge [sflag:s12], $0x4000  }
0x98: {  	[sflag:s12] =	ssyncset.done $0x0  }
0x99: {  	[sflag:s12] =	ssyncadd.s32 $0xFFFFC000  }
0x9a: {  	[hbm4b:s28+s2] =	stream.linear.scatter [tilespmem:s15], [sflag:$0x2], $0x4000, $0x38;
	[tilespmem:$0x10400] =	vst v63  }
0x9b: {  	_ = 	snop  }
0x9c: {  	[hbm4b:s29+s2] =	stream.linear.scatter [tilespmem:s17], [sflag:$0x2], $0x4000, $0x38;
	[tilespmem:$0x10400] =	vst v63  }
0x9d: {  	_ =	swait.ge [sflag:s19], $0x4000  }
0x9e: {  	[sflag:s19] =	ssyncset.done $0x0  }
0x9f: {  	[sflag:s19] =	ssyncadd.s32 $0xFFFFC000  }
0xa0: {  	_ =	swait.ge [sflag:s19], $0x4000  }
0xa1: {  	[sflag:s19] =	ssyncset.done $0x0  }
0xa2: {  	[sflag:s19] =	ssyncadd.s32 $0xFFFFC000  }
.Ltmp1:
0xa3: {  	_ =	swait.ge [sflag:s19], $0x4000;
	(pc) =	sbr.rel @p0 .LBB2_1-.Ltmp1, $4  }
0xa4: {  	[sflag:s19] =	ssyncset.done $0x0  }
0xa5: {  	[sflag:s19] =	ssyncadd.s32 $0xFFFFC000  }
0xa6: {  	_ =	swait.ge [sflag:s19], $0x4000  }
0xa7: {  	[sflag:s19] =	ssyncset.done $0x0  }
.LBB2_2:
0xa8: {  	[sflag:s19] =	ssyncadd.s32 $0xFFFFC000  }
0xa9: {  	_ =	sfence.sel $0x180000  }
0xaa: {  	[bflag:$0x0] =	sbarrier.arrive $0xFFFF  }
0xab: {  	p0 =	sne.s32 s0, $0x0;
	_ =	strace $0x90000047  }
0xac: {  	s0 =	sadd.s32 @!p0 $0x100000, s1;
	[bflag:$0x2] =	sbarrier.arrive $0xFFFF  }
0xad: {  	[sflag:s0] =	ssyncadd.tile.s32 @!p0 $0x1;
	_ =	shalt  }
.Lfunc_end2:
_tile_overlayer_lowered:
.L_overlay_start_2:
0xae: {  	(tag) =	ssettag $0x2  }
0xaf: {  	s0 =	rddreg [dreg:$0x0];
	s2 =	stileid.u32  }
0xb0: {  	s1 =	rddreg [dreg:$0x1];
	p0 =	sne.s32 s2, $0x0  }
0xb1: {  	s3 =	rddreg [dreg:$0x2];
	[bflag:$0x3] =	sbarrier.arrive $0xFFFF;
	s2 =	simm.s32 @!p0 $0x1C03  }
0xb2: {  	[timem:s3], [sflag:s2] =	dma.local @!p0 [hbm:s0], s1  }
0xb3: {  	s0 =	simm.s32 @!p0 $0x3  }
0xb4: {  	_ =	swait.ge @!p0 [sflag:s0], s1  }
0xb5: {  	s1 =	ssub.s32 @!p0 $0x0, s1;
	[sflag:s0] =	ssyncset.done @!p0 $0x0  }
0xb6: {  	[sflag:s0] =	ssyncadd.s32 @!p0 s1  }
0xb7: {  	[bflag:$0x3] =	sbarrier.arrive $0xFFFF  }
0xb8: {  	_ =	shalt  }

</sc_bundles>
